<compile_context>
chip_gen: v7x
topology: tpu7x:2x2x1
jax: 0.10.2.dev20260603
libtpu: 0.0.44.dev20260713+nightly
codegen_flags: <defaults>
</compile_context>

<pallas_src>
import jax
import jax.numpy as jnp
from jax import lax
from jax.experimental import pallas as pl
from jax.experimental.pallas import tpu as pltpu
from jax.experimental.pallas import tpu_sc as plsc

NBINS = 128 * 128 * 128
HALF = NBINS // 2
DUMP = HALF
ACC_SIZE = HALF + 256

NPTS = 4_000_000
NTILES = 16
PTS_PER_TILE = NPTS // NTILES
BATCH_PTS = 10000
CS = 1024
IDX_CAP = BATCH_PTS + CS
SUB_PTS = 2000
NRING = BATCH_PTS // SUB_PTS
SUB_GROUPS = SUB_PTS // 16
NSUB = PTS_PER_TILE // SUB_PTS

OUT_PER_TILE = HALF // NTILES
CHUNK = 4096
NCHUNK = OUT_PER_TILE // CHUNK


def _sc_body(x_hbm, z0_hbm, z1_hbm, z2_hbm, counts_hbm, r_hbm,
             acc_sp, zb0, zb1, zb2, idx_v, ones_v, zeros_v, cnt_v, x_v, r_v,
             zsem, zsem2):
    c = lax.axis_index("c")
    s = lax.axis_index("s")
    zero16 = jnp.zeros((16,), jnp.float32)
    one16 = jnp.ones((16,), jnp.float32)
    dump16 = jnp.full((16,), DUMP, jnp.int32)

    def init_zeros(i, _):
        zeros_v[pl.ds(i * 16, 16)] = zero16
        return 0
    lax.fori_loop(0, CHUNK // 16, init_zeros, 0)

    def init_ones(i, _):
        ones_v[pl.ds(i * 16, 16)] = one16
        return 0
    lax.fori_loop(0, CS // 16, init_ones, 0)

    pbase0 = s * PTS_PER_TILE
    pltpu.async_copy(z0_hbm.at[pl.ds(pbase0, SUB_PTS)],
                     zb0.at[pl.ds(0, SUB_PTS)], zsem)
    pltpu.async_copy(z1_hbm.at[pl.ds(pbase0, SUB_PTS)],
                     zb1.at[pl.ds(0, SUB_PTS)], zsem)
    pltpu.async_copy(z2_hbm.at[pl.ds(pbase0, SUB_PTS)],
                     zb2.at[pl.ds(0, SUB_PTS)], zsem)

    def zero_main(i, _):
        pltpu.sync_copy(zeros_v, acc_sp.at[pl.ds(s * OUT_PER_TILE + i * CHUNK,
                                                 CHUNK)])
        return 0
    lax.fori_loop(0, NCHUNK, zero_main, 0)

    @pl.when(s == 0)
    def _():
        pltpu.sync_copy(zeros_v.at[pl.ds(0, 256)], acc_sp.at[pl.ds(HALF, 256)])

    plsc.subcore_barrier()

    half_lo = c * HALF

    def z_issue(k, sem):
        pbase = s * PTS_PER_TILE + k * SUB_PTS
        roff = (k % NRING) * SUB_PTS
        pltpu.async_copy(z0_hbm.at[pl.ds(pbase, SUB_PTS)],
                         zb0.at[pl.ds(roff, SUB_PTS)], sem)
        pltpu.async_copy(z1_hbm.at[pl.ds(pbase, SUB_PTS)],
                         zb1.at[pl.ds(roff, SUB_PTS)], sem)
        pltpu.async_copy(z2_hbm.at[pl.ds(pbase, SUB_PTS)],
                         zb2.at[pl.ds(roff, SUB_PTS)], sem)

    def z_wait(sem):
        pltpu.make_async_copy(z0_hbm.at[pl.ds(0, 3 * SUB_PTS)],
                              zb0.at[pl.ds(0, 3 * SUB_PTS)], sem).wait()

    def do_sub(k, sem_w, sem_i, state):
        pos, flushed = state
        z_wait(sem_w)

        @pl.when(k + 1 < NSUB)
        def _():
            z_issue(k + 1, sem_i)

        roff = (k % NRING) * SUB_PTS

        def group_body(g, pos):
            off = pl.ds(roff + g * 16, 16)
            b0 = zb0[off].astype(jnp.int32)
            b1 = zb1[off].astype(jnp.int32)
            b2 = zb2[off].astype(jnp.int32)
            flat = (b0 << 14) + (b1 << 7) + b2
            local = flat - half_lo
            mine = local.astype(jnp.uint32) < jnp.uint32(HALF)
            plsc.store_compressed(idx_v.at[pl.ds(pos, 16)], local, mask=mine)
            return pos + plsc.all_reduce_population_count(mine)[0]
        pos = lax.fori_loop(0, SUB_GROUPS, group_body, pos)

        def flush_cond(st):
            return (st[0] + 1) * CS <= pos

        def flush_body(st):
            r, _ = st
            pltpu.sync_copy(ones_v,
                            acc_sp.at[idx_v.at[pl.ds(r * CS, CS)]], add=True)
            return (r + 1, 0)
        flushed, _ = lax.while_loop(flush_cond, flush_body, (flushed, 0))

        def wrap(st):
            pos, flushed = st
            tail = pos - flushed * CS

            def mv(i, _):
                v = idx_v[pl.ds(flushed * CS + i * 16, 16)]
                idx_v[pl.ds(i * 16, 16)] = v
                return 0
            lax.fori_loop(0, (tail + 15) // 16, mv, 0)
            return (tail, 0)

        state = lax.cond(pos + SUB_PTS + 16 > IDX_CAP,
                         wrap, lambda st: st, (pos, flushed))
        return state

    def pair_body(p, state):
        state = do_sub(2 * p, zsem, zsem2, state)
        state = do_sub(2 * p + 1, zsem2, zsem, state)
        return state
    state = lax.fori_loop(0, NSUB // 2, pair_body, (0, 0))
    pos, flushed = do_sub(NSUB - 1, zsem, zsem2, state)

    base = flushed * CS
    tail = pos - base
    for k in range(CS // 16):
        idx_v[pl.ds(pos + k * 16, 16)] = dump16

    def fin_body(r):
        pltpu.sync_copy(ones_v,
                        acc_sp.at[idx_v.at[pl.ds(base + r * CS, CS)]],
                        add=True)
        return r + 1
    nfin = (tail + CS - 1) // CS
    lax.while_loop(lambda r: r < nfin, fin_body, 0)

    plsc.subcore_barrier()

    def chunk_body(i, _):
        sbase = s * OUT_PER_TILE + i * CHUNK
        gbase = c * HALF + sbase
        pltpu.sync_copy(acc_sp.at[pl.ds(sbase, CHUNK)], cnt_v)
        pltpu.sync_copy(x_hbm.at[pl.ds(gbase, CHUNK)], x_v)

        def mask_body(k, _):
            cc = cnt_v[pl.ds(k * 16, 16)]
            xx = x_v[pl.ds(k * 16, 16)]
            r_v[pl.ds(k * 16, 16)] = jnp.where(cc > 0.0, xx, zero16)
            return 0
        lax.fori_loop(0, CHUNK // 16, mask_body, 0, unroll=8)

        pltpu.sync_copy(cnt_v, counts_hbm.at[pl.ds(gbase, CHUNK)])
        pltpu.sync_copy(r_v, r_hbm.at[pl.ds(gbase, CHUNK)])
        return 0
    lax.fori_loop(0, NCHUNK, chunk_body, 0)


@jax.jit
def _run(x_flat, z0, z1, z2):
    mesh = plsc.VectorSubcoreMesh(core_axis_name="c", subcore_axis_name="s")
    kfn = pl.kernel(
        _sc_body,
        out_type=[jax.ShapeDtypeStruct((NBINS,), jnp.float32),
                  jax.ShapeDtypeStruct((NBINS,), jnp.float32)],
        mesh=mesh,
        compiler_params=pltpu.CompilerParams(needs_layout_passes=False),
        scratch_types=[
            pltpu.VMEM_SHARED((ACC_SIZE,), jnp.float32),
            pltpu.VMEM((BATCH_PTS + 240,), jnp.float32),
            pltpu.VMEM((BATCH_PTS + 240,), jnp.float32),
            pltpu.VMEM((BATCH_PTS + 240,), jnp.float32),
            pltpu.VMEM((IDX_CAP,), jnp.int32),
            pltpu.VMEM((CS,), jnp.float32),
            pltpu.VMEM((CHUNK,), jnp.float32),
            pltpu.VMEM((CHUNK,), jnp.float32),
            pltpu.VMEM((CHUNK,), jnp.float32),
            pltpu.VMEM((CHUNK,), jnp.float32),
            pltpu.SemaphoreType.DMA,
            pltpu.SemaphoreType.DMA,
        ],
    )
    return kfn(x_flat, z0, z1, z2)


def kernel(x, z):
    z0 = z[:, 0] * 128.0
    z1 = z[:, 1] * 128.0
    z2 = z[:, 2] * 128.0
    counts, r = _run(x.reshape(-1), z0, z1, z2)
    return counts.reshape(x.shape), r.reshape(x.shape)

# --- scband reference (transcript-rebuilt; emitter-appended) ---
"""Pipeline reference for scband-ratio-estimator-cube-21672404975686 (READ-ONLY COPY).

The authoritative reference and input builder live on the scoring server;
editing this copy changes nothing except your own understanding.
"""

import jax, jax.numpy as jnp
import numpy as np

SHAPES = (128, 128, 128)
RANGES = ((0.0, 1.0), (0.0, 1.0), (0.0, 1.0))
CUMSUM = False


def points_to_image(z, shapes, ranges):
    # Multi-dimensional histogram: bin each point into the grid and scatter-add counts.
    n = z.shape[0]
    flat = jnp.zeros((n,), dtype=jnp.int32)
    valid = jnp.ones((n,), dtype=bool)
    for d in range(len(shapes)):
        lo, hi = ranges[d]
        nb = shapes[d]
        pos = (z[:, d] - lo) / (hi - lo) * nb
        b = jnp.floor(pos)
        valid = valid & (b >= 0) & (b < nb)
        bi = jnp.clip(b, 0, nb - 1).astype(jnp.int32)
        flat = flat * nb + bi
    counts = jnp.zeros((int(np.prod(shapes)),), dtype=jnp.float32)
    counts = counts.at[flat].add(valid.astype(jnp.float32))
    return counts.reshape(shapes)


def setup_inputs(seed: int = 0) -> dict:
    key = jax.random.key(seed)
    k1, k2 = jax.random.split(key)
    x = jax.random.normal(k1, SHAPES, dtype=jnp.float32)
    z = jax.random.uniform(k2, (4000000, 3), dtype=jnp.float32)
    return {"x": x, "z": z}


def reference(x, z):
    counts = points_to_image(z, SHAPES, RANGES)
    if CUMSUM:
        counts = counts + counts.sum(axis=-1, keepdims=True) - jnp.cumsum(counts, axis=-1)
    mask = jnp.where(counts > 0, 1.0, 0.0).astype(jnp.float32)
    # equalize_tensors: broadcast x (logratios) and mask to a common shape
    r, m = jnp.broadcast_arrays(x, mask)
    r_masked = r * m
    # LogRatioSamples container -> return (params=counts, logratios=r_masked)
    return counts, r_masked

if __name__ == "__main__":
    import jax
    _d = setup_inputs()
    print(jax.jit(kernel)(*tuple(_d.values())))

</pallas_src>

<mosaic_0001>
#map = affine_map<(d0, d1) -> (0)>
module attributes {stable_mosaic.version = 14 : i64} {
  func.func @_sc_body(%arg0: i32, %arg1: i32, %arg2: memref<2097152xf32, #tpu.memory_space<hbm>>, %arg3: memref<4000000xf32, #tpu.memory_space<hbm>>, %arg4: memref<4000000xf32, #tpu.memory_space<hbm>>, %arg5: memref<4000000xf32, #tpu.memory_space<hbm>>, %arg6: memref<2097152xf32, #tpu.memory_space<hbm>>, %arg7: memref<2097152xf32, #tpu.memory_space<hbm>>, %arg8: memref<1048832xf32, #tpu.memory_space<vmem_shared>>, %arg9: memref<10240xf32, #tpu.memory_space<vmem>>, %arg10: memref<10240xf32, #tpu.memory_space<vmem>>, %arg11: memref<10240xf32, #tpu.memory_space<vmem>>, %arg12: memref<11024xi32, #tpu.memory_space<vmem>>, %arg13: memref<1024xf32, #tpu.memory_space<vmem>>, %arg14: memref<4096xf32, #tpu.memory_space<vmem>>, %arg15: memref<4096xf32, #tpu.memory_space<vmem>>, %arg16: memref<4096xf32, #tpu.memory_space<vmem>>, %arg17: memref<4096xf32, #tpu.memory_space<vmem>>, %arg18: memref<!tpu.dma_semaphore, #tpu.memory_space<semaphore_mem>>, %arg19: memref<!tpu.dma_semaphore, #tpu.memory_space<semaphore_mem>>) attributes {dimension_semantics = [#tpu.dimension_semantics<core_parallel>, #tpu.dimension_semantics<subcore_parallel>], iteration_bounds = array<i64: 2, 16>, scalar_prefetch = 0 : i64, scratch_operands = 12 : i64, tpu.core_type = #tpu.core_type<sc_vector_subcore>, window_params = [{transform_indices = #map}, {transform_indices = #map}, {transform_indices = #map}, {transform_indices = #map}, {transform_indices = #map}, {transform_indices = #map}]} {
    %broadcast_in_dim3A = arith.constant 0.000000e+00 : f32
    %broadcast_in_dim3A_0 = vector.broadcast %broadcast_in_dim3A : f32 to vector<16xf32>
    %broadcast_in_dim3A_1 = arith.constant 1.000000e+00 : f32
    %broadcast_in_dim3A_2 = vector.broadcast %broadcast_in_dim3A_1 : f32 to vector<16xf32>
    %broadcast_in_dim3A_3 = arith.constant 1048576 : i32
    %broadcast_in_dim3A_4 = vector.broadcast %broadcast_in_dim3A_3 : i32 to vector<16xi32>
    %scan3A = arith.constant 0 : i32
    %scan3A_5 = arith.constant 0 : i32
    %scan3A_6 = arith.constant 256 : i32
    %scan3A_7 = arith.addi %scan3A_5, %scan3A_6 : i32
    %scan3A_8 = arith.constant 1 : i32
    %scan3A_9 = scf.for %scan3A_365 = %scan3A_5 to %scan3A_7 step %scan3A_8 iter_args(%scan3A_366 = %scan3A) -> (i32)  : i32 {
      %mul3A_367 = arith.constant 16 : i32
      %mul3A_368 = arith.muli %scan3A_365, %mul3A_367 : i32
      %swap3A_369 = arith.index_cast %mul3A_368 : i32 to index
      %swap3A_370 = tpu.vector_load %arg14[%swap3A_369] {strides = array<i32>} : memref<4096xf32, #tpu.memory_space<vmem>>, vector<16xf32>,
      tpu.vector_store %arg14[%swap3A_369], %broadcast_in_dim3A_0 {strides = array<i32>} : memref<4096xf32, #tpu.memory_space<vmem>>, vector<16xf32>,
      %scan3A_371 = arith.constant 0 : i32
      scf.yield %scan3A_371 : i32
    }
    %scan3A_10 = arith.constant 256 : i32
    %scan3A_11 = arith.constant 0 : i32
    %scan3A_12 = arith.constant 0 : i32
    %scan3A_13 = arith.constant 64 : i32
    %scan3A_14 = arith.addi %scan3A_12, %scan3A_13 : i32
    %scan3A_15 = arith.constant 1 : i32
    %scan3A_16 = scf.for %scan3A_365 = %scan3A_12 to %scan3A_14 step %scan3A_15 iter_args(%scan3A_366 = %scan3A_11) -> (i32)  : i32 {
      %mul3A_367 = arith.constant 16 : i32
      %mul3A_368 = arith.muli %scan3A_365, %mul3A_367 : i32
      %swap3A_369 = arith.index_cast %mul3A_368 : i32 to index
      %swap3A_370 = tpu.vector_load %arg13[%swap3A_369] {strides = array<i32>} : memref<1024xf32, #tpu.memory_space<vmem>>, vector<16xf32>,
      tpu.vector_store %arg13[%swap3A_369], %broadcast_in_dim3A_2 {strides = array<i32>} : memref<1024xf32, #tpu.memory_space<vmem>>, vector<16xf32>,
      %scan3A_371 = arith.constant 0 : i32
      scf.yield %scan3A_371 : i32
    }
    %scan3A_17 = arith.constant 64 : i32
    %mul3A = arith.constant 250000 : i32
    %mul3A_18 = arith.muli %arg1, %mul3A : i32
    %dma_start3A = arith.constant 0 : i32
    %dma_start3A_19 = tpu.memref_slice %arg9[%dma_start3A] : memref<10240xf32, #tpu.memory_space<vmem>> -> memref<2000xf32, #tpu.memory_space<vmem>>
    %dma_start3A_20 = tpu.memref_slice %arg3[%mul3A_18] : memref<4000000xf32, #tpu.memory_space<hbm>> -> memref<2000xf32, #tpu.memory_space<hbm>>
    %dma_start3A_21 = arith.constant 0 : i32
    %dma_start3A_22 = tpu.memref_slice %arg9[%dma_start3A_21] : memref<10240xf32, #tpu.memory_space<vmem>> -> memref<2000xf32, #tpu.memory_space<vmem>>
    %dma_start3A_23 = tpu.memref_slice %arg3[%mul3A_18] : memref<4000000xf32, #tpu.memory_space<hbm>> -> memref<2000xf32, #tpu.memory_space<hbm>>
    tpu.enqueue_dma source(%dma_start3A_23 : memref<2000xf32, #tpu.memory_space<hbm>>) target(%dma_start3A_22 : memref<2000xf32, #tpu.memory_space<vmem>>) target_semaphore(%arg18 : memref<!tpu.dma_semaphore, #tpu.memory_space<semaphore_mem>>)
    %dma_start3A_24 = arith.constant 0 : i32
    %dma_start3A_25 = tpu.memref_slice %arg10[%dma_start3A_24] : memref<10240xf32, #tpu.memory_space<vmem>> -> memref<2000xf32, #tpu.memory_space<vmem>>
    %dma_start3A_26 = tpu.memref_slice %arg4[%mul3A_18] : memref<4000000xf32, #tpu.memory_space<hbm>> -> memref<2000xf32, #tpu.memory_space<hbm>>
    %dma_start3A_27 = arith.constant 0 : i32
    %dma_start3A_28 = tpu.memref_slice %arg10[%dma_start3A_27] : memref<10240xf32, #tpu.memory_space<vmem>> -> memref<2000xf32, #tpu.memory_space<vmem>>
    %dma_start3A_29 = tpu.memref_slice %arg4[%mul3A_18] : memref<4000000xf32, #tpu.memory_space<hbm>> -> memref<2000xf32, #tpu.memory_space<hbm>>
    tpu.enqueue_dma source(%dma_start3A_29 : memref<2000xf32, #tpu.memory_space<hbm>>) target(%dma_start3A_28 : memref<2000xf32, #tpu.memory_space<vmem>>) target_semaphore(%arg18 : memref<!tpu.dma_semaphore, #tpu.memory_space<semaphore_mem>>)
    %dma_start3A_30 = arith.constant 0 : i32
    %dma_start3A_31 = tpu.memref_slice %arg11[%dma_start3A_30] : memref<10240xf32, #tpu.memory_space<vmem>> -> memref<2000xf32, #tpu.memory_space<vmem>>
    %dma_start3A_32 = tpu.memref_slice %arg5[%mul3A_18] : memref<4000000xf32, #tpu.memory_space<hbm>> -> memref<2000xf32, #tpu.memory_space<hbm>>
    %dma_start3A_33 = arith.constant 0 : i32
    %dma_start3A_34 = tpu.memref_slice %arg11[%dma_start3A_33] : memref<10240xf32, #tpu.memory_space<vmem>> -> memref<2000xf32, #tpu.memory_space<vmem>>
    %dma_start3A_35 = tpu.memref_slice %arg5[%mul3A_18] : memref<4000000xf32, #tpu.memory_space<hbm>> -> memref<2000xf32, #tpu.memory_space<hbm>>
    tpu.enqueue_dma source(%dma_start3A_35 : memref<2000xf32, #tpu.memory_space<hbm>>) target(%dma_start3A_34 : memref<2000xf32, #tpu.memory_space<vmem>>) target_semaphore(%arg18 : memref<!tpu.dma_semaphore, #tpu.memory_space<semaphore_mem>>)
    %scan3A_36 = arith.constant 0 : i32
    %scan3A_37 = arith.constant 0 : i32
    %scan3A_38 = arith.constant 16 : i32
    %scan3A_39 = arith.addi %scan3A_37, %scan3A_38 : i32
    %scan3A_40 = arith.constant 1 : i32
    %scan3A_41 = scf.for %scan3A_365 = %scan3A_37 to %scan3A_39 step %scan3A_40 iter_args(%scan3A_366 = %scan3A_36) -> (i32)  : i32 {
      %mul3A_367 = arith.constant 65536 : i32
      %mul3A_368 = arith.muli %arg1, %mul3A_367 : i32
      %mul3A_369 = arith.constant 4096 : i32
      %mul3A_370 = arith.muli %scan3A_365, %mul3A_369 : i32
      %add3A_371 = arith.addi %mul3A_368, %mul3A_370 : i32
      "tpu.region"() ({
        %run_scoped3A = tpu.sem_alloc : memref<!tpu.dma_semaphore, #tpu.memory_space<semaphore_mem>>
        %dma_start3A_373 = tpu.memref_slice %arg8[%add3A_371] : memref<1048832xf32, #tpu.memory_space<vmem_shared>> -> memref<4096xf32, #tpu.memory_space<vmem_shared>>
        %dma_start3A_374 = tpu.memref_slice %arg8[%add3A_371] : memref<1048832xf32, #tpu.memory_space<vmem_shared>> -> memref<4096xf32, #tpu.memory_space<vmem_shared>>
        tpu.enqueue_dma source(%arg14 : memref<4096xf32, #tpu.memory_space<vmem>>) target(%dma_start3A_374 : memref<4096xf32, #tpu.memory_space<vmem_shared>>) target_semaphore(%run_scoped3A : memref<!tpu.dma_semaphore, #tpu.memory_space<semaphore_mem>>)
        %dma_wait3A_375 = tpu.memref_slice %arg8[%add3A_371] : memref<1048832xf32, #tpu.memory_space<vmem_shared>> -> memref<4096xf32, #tpu.memory_space<vmem_shared>>
        %dma_wait3A_376 = tpu.memref_slice %arg8[%add3A_371] : memref<1048832xf32, #tpu.memory_space<vmem_shared>> -> memref<4096xf32, #tpu.memory_space<vmem_shared>>
        tpu.wait_dma2 semaphore(%run_scoped3A : memref<!tpu.dma_semaphore, #tpu.memory_space<semaphore_mem>>) src(%arg14 : memref<4096xf32, #tpu.memory_space<vmem>>) dst(%dma_wait3A_376 : memref<4096xf32, #tpu.memory_space<vmem_shared>>)
        tpu.yield
      }) : () -> ()
      %scan3A_372 = arith.constant 0 : i32
      scf.yield %scan3A_372 : i32
    }
    %scan3A_42 = arith.constant 16 : i32
    %eq3A = arith.constant 0 : i32
    %eq3A_43 = arith.cmpi eq, %arg1, %eq3A : i32
    %convert_element_type3A = arith.extui %eq3A_43 : i1 to i32
    %cond3A = arith.constant 0 : i32
    %cond3A_44 = arith.cmpi ne, %convert_element_type3A, %cond3A : i32
    scf.if %cond3A_44 {
      "tpu.region"() ({
        %run_scoped3A = tpu.sem_alloc : memref<!tpu.dma_semaphore, #tpu.memory_space<semaphore_mem>>
        %dma_start3A_365 = arith.constant 0 : i32
        %dma_start3A_366 = tpu.memref_slice %arg14[%dma_start3A_365] : memref<4096xf32, #tpu.memory_space<vmem>> -> memref<256xf32, #tpu.memory_space<vmem>>
        %dma_start3A_367 = arith.constant 1048576 : i32
        %dma_start3A_368 = tpu.memref_slice %arg8[%dma_start3A_367] : memref<1048832xf32, #tpu.memory_space<vmem_shared>> -> memref<256xf32, #tpu.memory_space<vmem_shared>>
        %dma_start3A_369 = arith.constant 1048576 : i32
        %dma_start3A_370 = tpu.memref_slice %arg8[%dma_start3A_369] : memref<1048832xf32, #tpu.memory_space<vmem_shared>> -> memref<256xf32, #tpu.memory_space<vmem_shared>>
        %dma_start3A_371 = arith.constant 0 : i32
        %dma_start3A_372 = tpu.memref_slice %arg14[%dma_start3A_371] : memref<4096xf32, #tpu.memory_space<vmem>> -> memref<256xf32, #tpu.memory_space<vmem>>
        tpu.enqueue_dma source(%dma_start3A_372 : memref<256xf32, #tpu.memory_space<vmem>>) target(%dma_start3A_370 : memref<256xf32, #tpu.memory_space<vmem_shared>>) target_semaphore(%run_scoped3A : memref<!tpu.dma_semaphore, #tpu.memory_space<semaphore_mem>>)
        %dma_wait3A_373 = arith.constant 0 : i32
        %dma_wait3A_374 = tpu.memref_slice %arg14[%dma_wait3A_373] : memref<4096xf32, #tpu.memory_space<vmem>> -> memref<256xf32, #tpu.memory_space<vmem>>
        %dma_wait3A_375 = arith.constant 1048576 : i32
        %dma_wait3A_376 = tpu.memref_slice %arg8[%dma_wait3A_375] : memref<1048832xf32, #tpu.memory_space<vmem_shared>> -> memref<256xf32, #tpu.memory_space<vmem_shared>>
        %dma_wait3A_377 = arith.constant 1048576 : i32
        %dma_wait3A_378 = tpu.memref_slice %arg8[%dma_wait3A_377] : memref<1048832xf32, #tpu.memory_space<vmem_shared>> -> memref<256xf32, #tpu.memory_space<vmem_shared>>
        %dma_wait3A_379 = arith.constant 0 : i32
        %dma_wait3A_380 = tpu.memref_slice %arg14[%dma_wait3A_379] : memref<4096xf32, #tpu.memory_space<vmem>> -> memref<256xf32, #tpu.memory_space<vmem>>
        tpu.wait_dma2 semaphore(%run_scoped3A : memref<!tpu.dma_semaphore, #tpu.memory_space<semaphore_mem>>) src(%dma_wait3A_380 : memref<256xf32, #tpu.memory_space<vmem>>) dst(%dma_wait3A_378 : memref<256xf32, #tpu.memory_space<vmem_shared>>)
        tpu.yield
      }) : () -> ()
    } else {
    }
    %barrier3A = arith.constant 0 : index
    tpu.barrier barrier_id(%barrier3A)
    %mul3A_45 = arith.constant 1048576 : i32
    %mul3A_46 = arith.muli %arg0, %mul3A_45 : i32
    %scan3A_47 = arith.constant 0 : i32
    %scan3A_48 = arith.constant 0 : i32
    %scan3A_49 = arith.constant 0 : i32
    %scan3A_50 = arith.constant 62 : i32
    %scan3A_51 = arith.addi %scan3A_49, %scan3A_50 : i32
    %scan3A_52 = arith.constant 1 : i32
    %scan3A_53:2 = scf.for %scan3A_365 = %scan3A_49 to %scan3A_51 step %scan3A_52 iter_args(%scan3A_366 = %scan3A_47, %scan3A_367 = %scan3A_48) -> (i32, i32)  : i32 {
      %mul3A_368 = arith.constant 2 : i32
      %mul3A_369 = arith.muli %mul3A_368, %scan3A_365 : i32
      %dma_wait3A_370 = arith.constant 0 : i32
      %dma_wait3A_371 = tpu.memref_slice %arg9[%dma_wait3A_370] : memref<10240xf32, #tpu.memory_space<vmem>> -> memref<6000xf32, #tpu.memory_space<vmem>>
      %dma_wait3A_372 = arith.constant 0 : i32
      %dma_wait3A_373 = tpu.memref_slice %arg3[%dma_wait3A_372] : memref<4000000xf32, #tpu.memory_space<hbm>> -> memref<6000xf32, #tpu.memory_space<hbm>>
      %dma_wait3A_374 = arith.constant 0 : i32
      %dma_wait3A_375 = tpu.memref_slice %arg9[%dma_wait3A_374] : memref<10240xf32, #tpu.memory_space<vmem>> -> memref<6000xf32, #tpu.memory_space<vmem>>
      %dma_wait3A_376 = arith.constant 0 : i32
      %dma_wait3A_377 = tpu.memref_slice %arg3[%dma_wait3A_376] : memref<4000000xf32, #tpu.memory_space<hbm>> -> memref<6000xf32, #tpu.memory_space<hbm>>
      tpu.wait_dma2 semaphore(%arg18 : memref<!tpu.dma_semaphore, #tpu.memory_space<semaphore_mem>>) src(%dma_wait3A_377 : memref<6000xf32, #tpu.memory_space<hbm>>) dst(%dma_wait3A_375 : memref<6000xf32, #tpu.memory_space<vmem>>)
      %add3A_378 = arith.constant 1 : i32
      %add3A_379 = arith.addi %mul3A_369, %add3A_378 : i32
      %lt3A = arith.constant 125 : i32
      %lt3A_380 = arith.cmpi slt, %add3A_379, %lt3A : i32
      %convert_element_type3A_381 = arith.extui %lt3A_380 : i1 to i32
      %cond3A_382 = arith.constant 0 : i32
      %cond3A_383 = arith.cmpi ne, %convert_element_type3A_381, %cond3A_382 : i32
      scf.if %cond3A_383 {
        %add3A_475 = arith.constant 1 : i32
        %add3A_476 = arith.addi %mul3A_369, %add3A_475 : i32
        %mul3A_477 = arith.constant 250000 : i32
        %mul3A_478 = arith.muli %arg1, %mul3A_477 : i32
        %mul3A_479 = arith.constant 2000 : i32
        %mul3A_480 = arith.muli %add3A_476, %mul3A_479 : i32
        %add3A_481 = arith.addi %mul3A_478, %mul3A_480 : i32
        %jit3A_482 = arith.constant 5 : i32
        %eq3A_483 = arith.constant 0 : i32
        %eq3A_484 = arith.cmpi eq, %jit3A_482, %eq3A_483 : i32
        %jit3A_485 = arith.constant 1 : i32
        %select_n3A_486 = arith.select %eq3A_484, %jit3A_485, %jit3A_482 : i32
        %rem3A_487 = arith.remsi %add3A_476, %select_n3A_486 : i32
        %ne3A_488 = arith.constant 0 : i32
        %ne3A_489 = arith.cmpi ne, %rem3A_487, %ne3A_488 : i32
        %lt3A_490 = arith.constant 0 : i32
        %lt3A_491 = arith.cmpi slt, %rem3A_487, %lt3A_490 : i32
        %lt3A_492 = arith.constant 0 : i32
        %lt3A_493 = arith.cmpi slt, %select_n3A_486, %lt3A_492 : i32
        %ne3A_494 = arith.xori %lt3A_491, %lt3A_493 : i1
        %and3A_495 = arith.andi %ne3A_494, %ne3A_489 : i1
        %add3A_496 = arith.addi %rem3A_487, %select_n3A_486 : i32
        %select_n3A_497 = arith.select %and3A_495, %add3A_496, %rem3A_487 : i32
        %mul3A_498 = arith.constant 2000 : i32
        %mul3A_499 = arith.muli %select_n3A_497, %mul3A_498 : i32
        %dma_start3A_500 = tpu.memref_slice %arg9[%mul3A_499] : memref<10240xf32, #tpu.memory_space<vmem>> -> memref<2000xf32, #tpu.memory_space<vmem>>
        %dma_start3A_501 = tpu.memref_slice %arg3[%add3A_481] : memref<4000000xf32, #tpu.memory_space<hbm>> -> memref<2000xf32, #tpu.memory_space<hbm>>
        %dma_start3A_502 = tpu.memref_slice %arg9[%mul3A_499] : memref<10240xf32, #tpu.memory_space<vmem>> -> memref<2000xf32, #tpu.memory_space<vmem>>
        %dma_start3A_503 = tpu.memref_slice %arg3[%add3A_481] : memref<4000000xf32, #tpu.memory_space<hbm>> -> memref<2000xf32, #tpu.memory_space<hbm>>
        tpu.enqueue_dma source(%dma_start3A_503 : memref<2000xf32, #tpu.memory_space<hbm>>) target(%dma_start3A_502 : memref<2000xf32, #tpu.memory_space<vmem>>) target_semaphore(%arg19 : memref<!tpu.dma_semaphore, #tpu.memory_space<semaphore_mem>>)
        %dma_start3A_504 = tpu.memref_slice %arg10[%mul3A_499] : memref<10240xf32, #tpu.memory_space<vmem>> -> memref<2000xf32, #tpu.memory_space<vmem>>
        %dma_start3A_505 = tpu.memref_slice %arg4[%add3A_481] : memref<4000000xf32, #tpu.memory_space<hbm>> -> memref<2000xf32, #tpu.memory_space<hbm>>
        %dma_start3A_506 = tpu.memref_slice %arg10[%mul3A_499] : memref<10240xf32, #tpu.memory_space<vmem>> -> memref<2000xf32, #tpu.memory_space<vmem>>
        %dma_start3A_507 = tpu.memref_slice %arg4[%add3A_481] : memref<4000000xf32, #tpu.memory_space<hbm>> -> memref<2000xf32, #tpu.memory_space<hbm>>
        tpu.enqueue_dma source(%dma_start3A_507 : memref<2000xf32, #tpu.memory_space<hbm>>) target(%dma_start3A_506 : memref<2000xf32, #tpu.memory_space<vmem>>) target_semaphore(%arg19 : memref<!tpu.dma_semaphore, #tpu.memory_space<semaphore_mem>>)
        %dma_start3A_508 = tpu.memref_slice %arg11[%mul3A_499] : memref<10240xf32, #tpu.memory_space<vmem>> -> memref<2000xf32, #tpu.memory_space<vmem>>
        %dma_start3A_509 = tpu.memref_slice %arg5[%add3A_481] : memref<4000000xf32, #tpu.memory_space<hbm>> -> memref<2000xf32, #tpu.memory_space<hbm>>
        %dma_start3A_510 = tpu.memref_slice %arg11[%mul3A_499] : memref<10240xf32, #tpu.memory_space<vmem>> -> memref<2000xf32, #tpu.memory_space<vmem>>
        %dma_start3A_511 = tpu.memref_slice %arg5[%add3A_481] : memref<4000000xf32, #tpu.memory_space<hbm>> -> memref<2000xf32, #tpu.memory_space<hbm>>
        tpu.enqueue_dma source(%dma_start3A_511 : memref<2000xf32, #tpu.memory_space<hbm>>) target(%dma_start3A_510 : memref<2000xf32, #tpu.memory_space<vmem>>) target_semaphore(%arg19 : memref<!tpu.dma_semaphore, #tpu.memory_space<semaphore_mem>>)
      } else {
      }
      %jit3A_384 = arith.constant 5 : i32
      %eq3A_385 = arith.constant 0 : i32
      %eq3A_386 = arith.cmpi eq, %jit3A_384, %eq3A_385 : i32
      %jit3A_387 = arith.constant 1 : i32
      %select_n3A_388 = arith.select %eq3A_386, %jit3A_387, %jit3A_384 : i32
      %rem3A_389 = arith.remsi %mul3A_369, %select_n3A_388 : i32
      %ne3A_390 = arith.constant 0 : i32
      %ne3A_391 = arith.cmpi ne, %rem3A_389, %ne3A_390 : i32
      %lt3A_392 = arith.constant 0 : i32
      %lt3A_393 = arith.cmpi slt, %rem3A_389, %lt3A_392 : i32
      %lt3A_394 = arith.constant 0 : i32
      %lt3A_395 = arith.cmpi slt, %select_n3A_388, %lt3A_394 : i32
      %ne3A_396 = arith.xori %lt3A_393, %lt3A_395 : i1
      %and3A_397 = arith.andi %ne3A_396, %ne3A_391 : i1
      %add3A_398 = arith.addi %rem3A_389, %select_n3A_388 : i32
      %select_n3A_399 = arith.select %and3A_397, %add3A_398, %rem3A_389 : i32
      %mul3A_400 = arith.constant 2000 : i32
      %mul3A_401 = arith.muli %select_n3A_399, %mul3A_400 : i32
      %scan3A_402 = arith.constant 0 : i32
      %scan3A_403 = arith.constant 125 : i32
      %scan3A_404 = arith.addi %scan3A_402, %scan3A_403 : i32
      %scan3A_405 = arith.constant 1 : i32
      %scan3A_406 = scf.for %scan3A_475 = %scan3A_402 to %scan3A_404 step %scan3A_405 iter_args(%scan3A_476 = %scan3A_366) -> (i32)  : i32 {
        %mul3A_477 = arith.constant 16 : i32
        %mul3A_478 = arith.muli %scan3A_475, %mul3A_477 : i32
        %add3A_479 = arith.addi %mul3A_401, %mul3A_478 : i32
        %get3A = arith.index_cast %add3A_479 : i32 to index
        %get3A_480 = tpu.vector_load %arg9[%get3A] {strides = array<i32>} : memref<10240xf32, #tpu.memory_space<vmem>>, vector<16xf32>,
        %convert_element_type3A_481 = arith.fptosi %get3A_480 : vector<16xf32> to vector<16xi32>
        %get3A_482 = arith.index_cast %add3A_479 : i32 to index
        %get3A_483 = tpu.vector_load %arg10[%get3A_482] {strides = array<i32>} : memref<10240xf32, #tpu.memory_space<vmem>>, vector<16xf32>,
        %convert_element_type3A_484 = arith.fptosi %get3A_483 : vector<16xf32> to vector<16xi32>
        %get3A_485 = arith.index_cast %add3A_479 : i32 to index
        %get3A_486 = tpu.vector_load %arg11[%get3A_485] {strides = array<i32>} : memref<10240xf32, #tpu.memory_space<vmem>>, vector<16xf32>,
        %convert_element_type3A_487 = arith.fptosi %get3A_486 : vector<16xf32> to vector<16xi32>
        %shift_left3A = arith.constant 14 : i32
        %shift_left3A_488 = vector.broadcast %shift_left3A : i32 to vector<16xi32>
        %shift_left3A_489 = arith.shli %convert_element_type3A_481, %shift_left3A_488 : vector<16xi32>
        %shift_left3A_490 = arith.constant 7 : i32
        %shift_left3A_491 = vector.broadcast %shift_left3A_490 : i32 to vector<16xi32>
        %shift_left3A_492 = arith.shli %convert_element_type3A_484, %shift_left3A_491 : vector<16xi32>
        %add3A_493 = arith.addi %shift_left3A_489, %shift_left3A_492 : vector<16xi32>
        %add3A_494 = arith.addi %add3A_493, %convert_element_type3A_487 : vector<16xi32>
        %sub3A_495 = vector.broadcast %mul3A_46 : i32 to vector<16xi32>
        %sub3A_496 = arith.subi %add3A_494, %sub3A_495 : vector<16xi32>
        %lt3A_497 = arith.constant 1048576 : i32
        %lt3A_498 = vector.broadcast %lt3A_497 : i32 to vector<16xi32>
        %lt3A_499 = arith.cmpi ult, %sub3A_496, %lt3A_498 : vector<16xi32>
        %swap3A_500 = arith.index_cast %scan3A_476 : i32 to index
        %swap3A_501 = tpu.vector_load %arg12[%swap3A_500] masked %lt3A_499 {strides = array<i32>} : memref<11024xi32, #tpu.memory_space<vmem>>, vector<16xi32>, vector<16xi1>
        tpu.vector_store %arg12[%swap3A_500], %sub3A_496 masked %lt3A_499 {strides = array<i32>} : memref<11024xi32, #tpu.memory_space<vmem>>, vector<16xi32>, vector<16xi1>
        %all_reduce_population_count3A = tpu.all_reduce %lt3A_499 {dim = 0 : i64, kind = #tpu.reduction_kind<sum>} : vector<16xi1> -> vector<16xi32>
        %slice3A = vector.extract_strided_slice %all_reduce_population_count3A {offsets = [0], sizes = [1], strides = [1]} : vector<16xi32> to vector<1xi32>
        %squeeze3A = vector.extract %slice3A[0] : i32 from vector<1xi32>
        %add3A_502 = arith.addi %scan3A_476, %squeeze3A : i32
        scf.yield %add3A_502 : i32
      }
      %scan3A_407 = arith.constant 125 : i32
      %while3A_408 = arith.constant 0 : i32
      %while3A_409:2 = scf.while (%while3A_475 = %scan3A_367, %while3A_476 = %while3A_408) : (i32, i32) -> (i32, i32) {
        %add3A_477 = arith.constant 1 : i32
        %add3A_478 = arith.addi %while3A_475, %add3A_477 : i32
        %mul3A_479 = arith.constant 1024 : i32
        %mul3A_480 = arith.muli %add3A_478, %mul3A_479 : i32
        %le3A = arith.cmpi sle, %mul3A_480, %scan3A_406 : i32
        scf.condition(%le3A) %while3A_475, %while3A_476 : i32, i32
      } do {
      ^bb0(%while3A_475: i32, %while3A_476: i32):
        %mul3A_477 = arith.constant 1024 : i32
        %mul3A_478 = arith.muli %while3A_475, %mul3A_477 : i32
        "tpu.region"() ({
          %run_scoped3A = tpu.sem_alloc : memref<!tpu.dma_semaphore, #tpu.memory_space<semaphore_mem>>
          %dma_start3A_482 = tpu.memref_slice %arg12[%mul3A_478] : memref<11024xi32, #tpu.memory_space<vmem>> -> memref<1024xi32, #tpu.memory_space<vmem>>
          %dma_start3A_483 = arith.constant 0 : i32
          %dma_start3A_484 = tpu.memref_slice %arg8[%dma_start3A_483] : memref<1048832xf32, #tpu.memory_space<vmem_shared>> -> memref<1048832xf32, #tpu.memory_space<vmem_shared>>
          tpu.enqueue_indirect_dma source(%arg13 : memref<1024xf32, #tpu.memory_space<vmem>>) target(%dma_start3A_484 : memref<1048832xf32, #tpu.memory_space<vmem_shared>>) offsets(%dma_start3A_482 : memref<1024xi32, #tpu.memory_space<vmem>>) semaphore(%run_scoped3A : memref<!tpu.dma_semaphore, #tpu.memory_space<semaphore_mem>>) {add = true}
          %dma_wait3A_485 = tpu.memref_slice %arg12[%mul3A_478] : memref<11024xi32, #tpu.memory_space<vmem>> -> memref<1024xi32, #tpu.memory_space<vmem>>
          %dma_wait3A_486 = arith.constant 0 : i32
          %dma_wait3A_487 = tpu.memref_slice %arg8[%dma_wait3A_486] : memref<1048832xf32, #tpu.memory_space<vmem_shared>> -> memref<1048832xf32, #tpu.memory_space<vmem_shared>>
          tpu.wait_indirect_dma semaphore(%run_scoped3A : memref<!tpu.dma_semaphore, #tpu.memory_space<semaphore_mem>>) src(%arg13 : memref<1024xf32, #tpu.memory_space<vmem>>) dst(%dma_wait3A_487 : memref<1048832xf32, #tpu.memory_space<vmem_shared>>)
          tpu.yield
        }) : () -> ()
        %add3A_479 = arith.constant 1 : i32
        %add3A_480 = arith.addi %while3A_475, %add3A_479 : i32
        %while3A_481 = arith.constant 0 : i32
        scf.yield %add3A_480, %while3A_481 : i32, i32
      }
      %add3A_410 = arith.constant 2000 : i32
      %add3A_411 = arith.addi %scan3A_406, %add3A_410 : i32
      %add3A_412 = arith.constant 16 : i32
      %add3A_413 = arith.addi %add3A_411, %add3A_412 : i32
      %gt3A_414 = arith.constant 11024 : i32
      %gt3A_415 = arith.cmpi sgt, %add3A_413, %gt3A_414 : i32
      %convert_element_type3A_416 = arith.extui %gt3A_415 : i1 to i32
      %cond3A_417 = arith.constant 0 : i32
      %cond3A_418 = arith.cmpi ne, %convert_element_type3A_416, %cond3A_417 : i32
      %cond3A_419:2 = scf.if %cond3A_418 -> (i32, i32) {
        %mul3A_475 = arith.constant 1024 : i32
        %mul3A_476 = arith.muli %while3A_409#0, %mul3A_475 : i32
        %sub3A_477 = arith.subi %scan3A_406, %mul3A_476 : i32
        %add3A_478 = arith.constant 15 : i32
        %add3A_479 = arith.addi %sub3A_477, %add3A_478 : i32
        %jit3A_480 = arith.constant 16 : i32
        %div3A_481 = arith.divsi %add3A_479, %jit3A_480 : i32
        %sign3A_482 = arith.constant 0 : i32
        %sign3A_483 = arith.cmpi sgt, %add3A_479, %sign3A_482 : i32
        %sign3A_484 = arith.extui %sign3A_483 : i1 to i32
        %sign3A_485 = arith.constant 0 : i32
        %sign3A_486 = arith.cmpi slt, %add3A_479, %sign3A_485 : i32
        %sign3A_487 = arith.extui %sign3A_486 : i1 to i32
        %sign3A_488 = arith.subi %sign3A_484, %sign3A_487 : i32
        %sign3A_489 = arith.constant 0 : i32
        %sign3A_490 = arith.cmpi sgt, %jit3A_480, %sign3A_489 : i32
        %sign3A_491 = arith.extui %sign3A_490 : i1 to i32
        %sign3A_492 = arith.constant 0 : i32
        %sign3A_493 = arith.cmpi slt, %jit3A_480, %sign3A_492 : i32
        %sign3A_494 = arith.extui %sign3A_493 : i1 to i32
        %sign3A_495 = arith.subi %sign3A_491, %sign3A_494 : i32
        %ne3A_496 = arith.cmpi ne, %sign3A_488, %sign3A_495 : i32
        %rem3A_497 = arith.remsi %add3A_479, %jit3A_480 : i32
        %ne3A_498 = arith.constant 0 : i32
        %ne3A_499 = arith.cmpi ne, %rem3A_497, %ne3A_498 : i32
        %and3A_500 = arith.andi %ne3A_496, %ne3A_499 : i1
        %sub3A_501 = arith.constant 1 : i32
        %sub3A_502 = arith.subi %div3A_481, %sub3A_501 : i32
        %select_n3A_503 = arith.select %and3A_500, %sub3A_502, %div3A_481 : i32
        %while3A_504 = arith.constant 0 : i32
        %while3A_505 = arith.constant 0 : i32
        %while3A_506 = arith.subi %select_n3A_503, %while3A_504 : i32
        %while3A_507 = arith.addi %while3A_504, %while3A_506 : i32
        %while3A_508 = arith.constant 1 : i32
        %while3A_509 = arith.divsi %while3A_506, %while3A_508 : i32
        %while3A_510 = arith.muli %while3A_509, %while3A_508 : i32
        %while3A_511 = arith.addi %while3A_504, %while3A_510 : i32
        %while3A_512 = arith.constant 1 : i32
        %while3A_513 = scf.for %while3A_517 = %while3A_504 to %while3A_511 step %while3A_512 iter_args(%while3A_518 = %while3A_505) -> (i32)  : i32 {
          %mul3A_519 = arith.constant 1024 : i32
          %mul3A_520 = arith.muli %while3A_409#0, %mul3A_519 : i32
          %mul3A_521 = arith.constant 16 : i32
          %mul3A_522 = arith.muli %while3A_517, %mul3A_521 : i32
          %add3A_523 = arith.addi %mul3A_520, %mul3A_522 : i32
          %get3A = arith.index_cast %add3A_523 : i32 to index
          %get3A_524 = tpu.vector_load %arg12[%get3A] {strides = array<i32>} : memref<11024xi32, #tpu.memory_space<vmem>>, vector<16xi32>,
          %mul3A_525 = arith.constant 16 : i32
          %mul3A_526 = arith.muli %while3A_517, %mul3A_525 : i32
          %swap3A_527 = arith.index_cast %mul3A_526 : i32 to index
          %swap3A_528 = tpu.vector_load %arg12[%swap3A_527] {strides = array<i32>} : memref<11024xi32, #tpu.memory_space<vmem>>, vector<16xi32>,
          tpu.vector_store %arg12[%swap3A_527], %get3A_524 {strides = array<i32>} : memref<11024xi32, #tpu.memory_space<vmem>>, vector<16xi32>,
          %while3A_529 = arith.constant 0 : i32
          scf.yield %while3A_529 : i32
        }
        %while3A_514 = arith.constant 1 : i32
        %while3A_515 = scf.for %while3A_517 = %while3A_511 to %while3A_507 step %while3A_514 iter_args(%while3A_518 = %while3A_513) -> (i32)  : i32 {
          %mul3A_519 = arith.constant 1024 : i32
          %mul3A_520 = arith.muli %while3A_409#0, %mul3A_519 : i32
          %mul3A_521 = arith.constant 16 : i32
          %mul3A_522 = arith.muli %while3A_517, %mul3A_521 : i32
          %add3A_523 = arith.addi %mul3A_520, %mul3A_522 : i32
          %get3A = arith.index_cast %add3A_523 : i32 to index
          %get3A_524 = tpu.vector_load %arg12[%get3A] {strides = array<i32>} : memref<11024xi32, #tpu.memory_space<vmem>>, vector<16xi32>,
          %mul3A_525 = arith.constant 16 : i32
          %mul3A_526 = arith.muli %while3A_517, %mul3A_525 : i32
          %swap3A_527 = arith.index_cast %mul3A_526 : i32 to index
          %swap3A_528 = tpu.vector_load %arg12[%swap3A_527] {strides = array<i32>} : memref<11024xi32, #tpu.memory_space<vmem>>, vector<16xi32>,
          tpu.vector_store %arg12[%swap3A_527], %get3A_524 {strides = array<i32>} : memref<11024xi32, #tpu.memory_space<vmem>>, vector<16xi32>,
          %while3A_529 = arith.constant 0 : i32
          scf.yield %while3A_529 : i32
        }
        %cond3A_516 = arith.constant 0 : i32
        scf.yield %sub3A_477, %cond3A_516 : i32, i32
      } else {
        scf.yield %scan3A_406, %while3A_409#0 : i32, i32
      }
      %mul3A_420 = arith.constant 2 : i32
      %mul3A_421 = arith.muli %mul3A_420, %scan3A_365 : i32
      %add3A_422 = arith.constant 1 : i32
      %add3A_423 = arith.addi %mul3A_421, %add3A_422 : i32
      %dma_wait3A_424 = arith.constant 0 : i32
      %dma_wait3A_425 = tpu.memref_slice %arg9[%dma_wait3A_424] : memref<10240xf32, #tpu.memory_space<vmem>> -> memref<6000xf32, #tpu.memory_space<vmem>>
      %dma_wait3A_426 = arith.constant 0 : i32
      %dma_wait3A_427 = tpu.memref_slice %arg3[%dma_wait3A_426] : memref<4000000xf32, #tpu.memory_space<hbm>> -> memref<6000xf32, #tpu.memory_space<hbm>>
      %dma_wait3A_428 = arith.constant 0 : i32
      %dma_wait3A_429 = tpu.memref_slice %arg9[%dma_wait3A_428] : memref<10240xf32, #tpu.memory_space<vmem>> -> memref<6000xf32, #tpu.memory_space<vmem>>
      %dma_wait3A_430 = arith.constant 0 : i32
      %dma_wait3A_431 = tpu.memref_slice %arg3[%dma_wait3A_430] : memref<4000000xf32, #tpu.memory_space<hbm>> -> memref<6000xf32, #tpu.memory_space<hbm>>
      tpu.wait_dma2 semaphore(%arg19 : memref<!tpu.dma_semaphore, #tpu.memory_space<semaphore_mem>>) src(%dma_wait3A_431 : memref<6000xf32, #tpu.memory_space<hbm>>) dst(%dma_wait3A_429 : memref<6000xf32, #tpu.memory_space<vmem>>)
      %add3A_432 = arith.constant 1 : i32
      %add3A_433 = arith.addi %add3A_423, %add3A_432 : i32
      %lt3A_434 = arith.constant 125 : i32
      %lt3A_435 = arith.cmpi slt, %add3A_433, %lt3A_434 : i32
      %convert_element_type3A_436 = arith.extui %lt3A_435 : i1 to i32
      %cond3A_437 = arith.constant 0 : i32
      %cond3A_438 = arith.cmpi ne, %convert_element_type3A_436, %cond3A_437 : i32
      scf.if %cond3A_438 {
        %add3A_475 = arith.constant 1 : i32
        %add3A_476 = arith.addi %add3A_423, %add3A_475 : i32
        %mul3A_477 = arith.constant 250000 : i32
        %mul3A_478 = arith.muli %arg1, %mul3A_477 : i32
        %mul3A_479 = arith.constant 2000 : i32
        %mul3A_480 = arith.muli %add3A_476, %mul3A_479 : i32
        %add3A_481 = arith.addi %mul3A_478, %mul3A_480 : i32
        %jit3A_482 = arith.constant 5 : i32
        %eq3A_483 = arith.constant 0 : i32
        %eq3A_484 = arith.cmpi eq, %jit3A_482, %eq3A_483 : i32
        %jit3A_485 = arith.constant 1 : i32
        %select_n3A_486 = arith.select %eq3A_484, %jit3A_485, %jit3A_482 : i32
        %rem3A_487 = arith.remsi %add3A_476, %select_n3A_486 : i32
        %ne3A_488 = arith.constant 0 : i32
        %ne3A_489 = arith.cmpi ne, %rem3A_487, %ne3A_488 : i32
        %lt3A_490 = arith.constant 0 : i32
        %lt3A_491 = arith.cmpi slt, %rem3A_487, %lt3A_490 : i32
        %lt3A_492 = arith.constant 0 : i32
        %lt3A_493 = arith.cmpi slt, %select_n3A_486, %lt3A_492 : i32
        %ne3A_494 = arith.xori %lt3A_491, %lt3A_493 : i1
        %and3A_495 = arith.andi %ne3A_494, %ne3A_489 : i1
        %add3A_496 = arith.addi %rem3A_487, %select_n3A_486 : i32
        %select_n3A_497 = arith.select %and3A_495, %add3A_496, %rem3A_487 : i32
        %mul3A_498 = arith.constant 2000 : i32
        %mul3A_499 = arith.muli %select_n3A_497, %mul3A_498 : i32
        %dma_start3A_500 = tpu.memref_slice %arg9[%mul3A_499] : memref<10240xf32, #tpu.memory_space<vmem>> -> memref<2000xf32, #tpu.memory_space<vmem>>
        %dma_start3A_501 = tpu.memref_slice %arg3[%add3A_481] : memref<4000000xf32, #tpu.memory_space<hbm>> -> memref<2000xf32, #tpu.memory_space<hbm>>
        %dma_start3A_502 = tpu.memref_slice %arg9[%mul3A_499] : memref<10240xf32, #tpu.memory_space<vmem>> -> memref<2000xf32, #tpu.memory_space<vmem>>
        %dma_start3A_503 = tpu.memref_slice %arg3[%add3A_481] : memref<4000000xf32, #tpu.memory_space<hbm>> -> memref<2000xf32, #tpu.memory_space<hbm>>
        tpu.enqueue_dma source(%dma_start3A_503 : memref<2000xf32, #tpu.memory_space<hbm>>) target(%dma_start3A_502 : memref<2000xf32, #tpu.memory_space<vmem>>) target_semaphore(%arg18 : memref<!tpu.dma_semaphore, #tpu.memory_space<semaphore_mem>>)
        %dma_start3A_504 = tpu.memref_slice %arg10[%mul3A_499] : memref<10240xf32, #tpu.memory_space<vmem>> -> memref<2000xf32, #tpu.memory_space<vmem>>
        %dma_start3A_505 = tpu.memref_slice %arg4[%add3A_481] : memref<4000000xf32, #tpu.memory_space<hbm>> -> memref<2000xf32, #tpu.memory_space<hbm>>
        %dma_start3A_506 = tpu.memref_slice %arg10[%mul3A_499] : memref<10240xf32, #tpu.memory_space<vmem>> -> memref<2000xf32, #tpu.memory_space<vmem>>
        %dma_start3A_507 = tpu.memref_slice %arg4[%add3A_481] : memref<4000000xf32, #tpu.memory_space<hbm>> -> memref<2000xf32, #tpu.memory_space<hbm>>
        tpu.enqueue_dma source(%dma_start3A_507 : memref<2000xf32, #tpu.memory_space<hbm>>) target(%dma_start3A_506 : memref<2000xf32, #tpu.memory_space<vmem>>) target_semaphore(%arg18 : memref<!tpu.dma_semaphore, #tpu.memory_space<semaphore_mem>>)
        %dma_start3A_508 = tpu.memref_slice %arg11[%mul3A_499] : memref<10240xf32, #tpu.memory_space<vmem>> -> memref<2000xf32, #tpu.memory_space<vmem>>
        %dma_start3A_509 = tpu.memref_slice %arg5[%add3A_481] : memref<4000000xf32, #tpu.memory_space<hbm>> -> memref<2000xf32, #tpu.memory_space<hbm>>
        %dma_start3A_510 = tpu.memref_slice %arg11[%mul3A_499] : memref<10240xf32, #tpu.memory_space<vmem>> -> memref<2000xf32, #tpu.memory_space<vmem>>
        %dma_start3A_511 = tpu.memref_slice %arg5[%add3A_481] : memref<4000000xf32, #tpu.memory_space<hbm>> -> memref<2000xf32, #tpu.memory_space<hbm>>
        tpu.enqueue_dma source(%dma_start3A_511 : memref<2000xf32, #tpu.memory_space<hbm>>) target(%dma_start3A_510 : memref<2000xf32, #tpu.memory_space<vmem>>) target_semaphore(%arg18 : memref<!tpu.dma_semaphore, #tpu.memory_space<semaphore_mem>>)
      } else {
      }
      %jit3A_439 = arith.constant 5 : i32
      %eq3A_440 = arith.constant 0 : i32
      %eq3A_441 = arith.cmpi eq, %jit3A_439, %eq3A_440 : i32
      %jit3A_442 = arith.constant 1 : i32
      %select_n3A_443 = arith.select %eq3A_441, %jit3A_442, %jit3A_439 : i32
      %rem3A_444 = arith.remsi %add3A_423, %select_n3A_443 : i32
      %ne3A_445 = arith.constant 0 : i32
      %ne3A_446 = arith.cmpi ne, %rem3A_444, %ne3A_445 : i32
      %lt3A_447 = arith.constant 0 : i32
      %lt3A_448 = arith.cmpi slt, %rem3A_444, %lt3A_447 : i32
      %lt3A_449 = arith.constant 0 : i32
      %lt3A_450 = arith.cmpi slt, %select_n3A_443, %lt3A_449 : i32
      %ne3A_451 = arith.xori %lt3A_448, %lt3A_450 : i1
      %and3A_452 = arith.andi %ne3A_451, %ne3A_446 : i1
      %add3A_453 = arith.addi %rem3A_444, %select_n3A_443 : i32
      %select_n3A_454 = arith.select %and3A_452, %add3A_453, %rem3A_444 : i32
      %mul3A_455 = arith.constant 2000 : i32
      %mul3A_456 = arith.muli %select_n3A_454, %mul3A_455 : i32
      %scan3A_457 = arith.constant 0 : i32
      %scan3A_458 = arith.constant 125 : i32
      %scan3A_459 = arith.addi %scan3A_457, %scan3A_458 : i32
      %scan3A_460 = arith.constant 1 : i32
      %scan3A_461 = scf.for %scan3A_475 = %scan3A_457 to %scan3A_459 step %scan3A_460 iter_args(%scan3A_476 = %cond3A_419#0) -> (i32)  : i32 {
        %mul3A_477 = arith.constant 16 : i32
        %mul3A_478 = arith.muli %scan3A_475, %mul3A_477 : i32
        %add3A_479 = arith.addi %mul3A_456, %mul3A_478 : i32
        %get3A = arith.index_cast %add3A_479 : i32 to index
        %get3A_480 = tpu.vector_load %arg9[%get3A] {strides = array<i32>} : memref<10240xf32, #tpu.memory_space<vmem>>, vector<16xf32>,
        %convert_element_type3A_481 = arith.fptosi %get3A_480 : vector<16xf32> to vector<16xi32>
        %get3A_482 = arith.index_cast %add3A_479 : i32 to index
        %get3A_483 = tpu.vector_load %arg10[%get3A_482] {strides = array<i32>} : memref<10240xf32, #tpu.memory_space<vmem>>, vector<16xf32>,
        %convert_element_type3A_484 = arith.fptosi %get3A_483 : vector<16xf32> to vector<16xi32>
        %get3A_485 = arith.index_cast %add3A_479 : i32 to index
        %get3A_486 = tpu.vector_load %arg11[%get3A_485] {strides = array<i32>} : memref<10240xf32, #tpu.memory_space<vmem>>, vector<16xf32>,
        %convert_element_type3A_487 = arith.fptosi %get3A_486 : vector<16xf32> to vector<16xi32>
        %shift_left3A = arith.constant 14 : i32
        %shift_left3A_488 = vector.broadcast %shift_left3A : i32 to vector<16xi32>
        %shift_left3A_489 = arith.shli %convert_element_type3A_481, %shift_left3A_488 : vector<16xi32>
        %shift_left3A_490 = arith.constant 7 : i32
        %shift_left3A_491 = vector.broadcast %shift_left3A_490 : i32 to vector<16xi32>
        %shift_left3A_492 = arith.shli %convert_element_type3A_484, %shift_left3A_491 : vector<16xi32>
        %add3A_493 = arith.addi %shift_left3A_489, %shift_left3A_492 : vector<16xi32>
        %add3A_494 = arith.addi %add3A_493, %convert_element_type3A_487 : vector<16xi32>
        %sub3A_495 = vector.broadcast %mul3A_46 : i32 to vector<16xi32>
        %sub3A_496 = arith.subi %add3A_494, %sub3A_495 : vector<16xi32>
        %lt3A_497 = arith.constant 1048576 : i32
        %lt3A_498 = vector.broadcast %lt3A_497 : i32 to vector<16xi32>
        %lt3A_499 = arith.cmpi ult, %sub3A_496, %lt3A_498 : vector<16xi32>
        %swap3A_500 = arith.index_cast %scan3A_476 : i32 to index
        %swap3A_501 = tpu.vector_load %arg12[%swap3A_500] masked %lt3A_499 {strides = array<i32>} : memref<11024xi32, #tpu.memory_space<vmem>>, vector<16xi32>, vector<16xi1>
        tpu.vector_store %arg12[%swap3A_500], %sub3A_496 masked %lt3A_499 {strides = array<i32>} : memref<11024xi32, #tpu.memory_space<vmem>>, vector<16xi32>, vector<16xi1>
        %all_reduce_population_count3A = tpu.all_reduce %lt3A_499 {dim = 0 : i64, kind = #tpu.reduction_kind<sum>} : vector<16xi1> -> vector<16xi32>
        %slice3A = vector.extract_strided_slice %all_reduce_population_count3A {offsets = [0], sizes = [1], strides = [1]} : vector<16xi32> to vector<1xi32>
        %squeeze3A = vector.extract %slice3A[0] : i32 from vector<1xi32>
        %add3A_502 = arith.addi %scan3A_476, %squeeze3A : i32
        scf.yield %add3A_502 : i32
      }
      %scan3A_462 = arith.constant 125 : i32
      %while3A_463 = arith.constant 0 : i32
      %while3A_464:2 = scf.while (%while3A_475 = %cond3A_419#1, %while3A_476 = %while3A_463) : (i32, i32) -> (i32, i32) {
        %add3A_477 = arith.constant 1 : i32
        %add3A_478 = arith.addi %while3A_475, %add3A_477 : i32
        %mul3A_479 = arith.constant 1024 : i32
        %mul3A_480 = arith.muli %add3A_478, %mul3A_479 : i32
        %le3A = arith.cmpi sle, %mul3A_480, %scan3A_461 : i32
        scf.condition(%le3A) %while3A_475, %while3A_476 : i32, i32
      } do {
      ^bb0(%while3A_475: i32, %while3A_476: i32):
        %mul3A_477 = arith.constant 1024 : i32
        %mul3A_478 = arith.muli %while3A_475, %mul3A_477 : i32
        "tpu.region"() ({
          %run_scoped3A = tpu.sem_alloc : memref<!tpu.dma_semaphore, #tpu.memory_space<semaphore_mem>>
          %dma_start3A_482 = tpu.memref_slice %arg12[%mul3A_478] : memref<11024xi32, #tpu.memory_space<vmem>> -> memref<1024xi32, #tpu.memory_space<vmem>>
          %dma_start3A_483 = arith.constant 0 : i32
          %dma_start3A_484 = tpu.memref_slice %arg8[%dma_start3A_483] : memref<1048832xf32, #tpu.memory_space<vmem_shared>> -> memref<1048832xf32, #tpu.memory_space<vmem_shared>>
          tpu.enqueue_indirect_dma source(%arg13 : memref<1024xf32, #tpu.memory_space<vmem>>) target(%dma_start3A_484 : memref<1048832xf32, #tpu.memory_space<vmem_shared>>) offsets(%dma_start3A_482 : memref<1024xi32, #tpu.memory_space<vmem>>) semaphore(%run_scoped3A : memref<!tpu.dma_semaphore, #tpu.memory_space<semaphore_mem>>) {add = true}
          %dma_wait3A_485 = tpu.memref_slice %arg12[%mul3A_478] : memref<11024xi32, #tpu.memory_space<vmem>> -> memref<1024xi32, #tpu.memory_space<vmem>>
          %dma_wait3A_486 = arith.constant 0 : i32
          %dma_wait3A_487 = tpu.memref_slice %arg8[%dma_wait3A_486] : memref<1048832xf32, #tpu.memory_space<vmem_shared>> -> memref<1048832xf32, #tpu.memory_space<vmem_shared>>
          tpu.wait_indirect_dma semaphore(%run_scoped3A : memref<!tpu.dma_semaphore, #tpu.memory_space<semaphore_mem>>) src(%arg13 : memref<1024xf32, #tpu.memory_space<vmem>>) dst(%dma_wait3A_487 : memref<1048832xf32, #tpu.memory_space<vmem_shared>>)
          tpu.yield
        }) : () -> ()
        %add3A_479 = arith.constant 1 : i32
        %add3A_480 = arith.addi %while3A_475, %add3A_479 : i32
        %while3A_481 = arith.constant 0 : i32
        scf.yield %add3A_480, %while3A_481 : i32, i32
      }
      %add3A_465 = arith.constant 2000 : i32
      %add3A_466 = arith.addi %scan3A_461, %add3A_465 : i32
      %add3A_467 = arith.constant 16 : i32
      %add3A_468 = arith.addi %add3A_466, %add3A_467 : i32
      %gt3A_469 = arith.constant 11024 : i32
      %gt3A_470 = arith.cmpi sgt, %add3A_468, %gt3A_469 : i32
      %convert_element_type3A_471 = arith.extui %gt3A_470 : i1 to i32
      %cond3A_472 = arith.constant 0 : i32
      %cond3A_473 = arith.cmpi ne, %convert_element_type3A_471, %cond3A_472 : i32
      %cond3A_474:2 = scf.if %cond3A_473 -> (i32, i32) {
        %mul3A_475 = arith.constant 1024 : i32
        %mul3A_476 = arith.muli %while3A_464#0, %mul3A_475 : i32
        %sub3A_477 = arith.subi %scan3A_461, %mul3A_476 : i32
        %add3A_478 = arith.constant 15 : i32
        %add3A_479 = arith.addi %sub3A_477, %add3A_478 : i32
        %jit3A_480 = arith.constant 16 : i32
        %div3A_481 = arith.divsi %add3A_479, %jit3A_480 : i32
        %sign3A_482 = arith.constant 0 : i32
        %sign3A_483 = arith.cmpi sgt, %add3A_479, %sign3A_482 : i32
        %sign3A_484 = arith.extui %sign3A_483 : i1 to i32
        %sign3A_485 = arith.constant 0 : i32
        %sign3A_486 = arith.cmpi slt, %add3A_479, %sign3A_485 : i32
        %sign3A_487 = arith.extui %sign3A_486 : i1 to i32
        %sign3A_488 = arith.subi %sign3A_484, %sign3A_487 : i32
        %sign3A_489 = arith.constant 0 : i32
        %sign3A_490 = arith.cmpi sgt, %jit3A_480, %sign3A_489 : i32
        %sign3A_491 = arith.extui %sign3A_490 : i1 to i32
        %sign3A_492 = arith.constant 0 : i32
        %sign3A_493 = arith.cmpi slt, %jit3A_480, %sign3A_492 : i32
        %sign3A_494 = arith.extui %sign3A_493 : i1 to i32
        %sign3A_495 = arith.subi %sign3A_491, %sign3A_494 : i32
        %ne3A_496 = arith.cmpi ne, %sign3A_488, %sign3A_495 : i32
        %rem3A_497 = arith.remsi %add3A_479, %jit3A_480 : i32
        %ne3A_498 = arith.constant 0 : i32
        %ne3A_499 = arith.cmpi ne, %rem3A_497, %ne3A_498 : i32
        %and3A_500 = arith.andi %ne3A_496, %ne3A_499 : i1
        %sub3A_501 = arith.constant 1 : i32
        %sub3A_502 = arith.subi %div3A_481, %sub3A_501 : i32
        %select_n3A_503 = arith.select %and3A_500, %sub3A_502, %div3A_481 : i32
        %while3A_504 = arith.constant 0 : i32
        %while3A_505 = arith.constant 0 : i32
        %while3A_506 = arith.subi %select_n3A_503, %while3A_504 : i32
        %while3A_507 = arith.addi %while3A_504, %while3A_506 : i32
        %while3A_508 = arith.constant 1 : i32
        %while3A_509 = arith.divsi %while3A_506, %while3A_508 : i32
        %while3A_510 = arith.muli %while3A_509, %while3A_508 : i32
        %while3A_511 = arith.addi %while3A_504, %while3A_510 : i32
        %while3A_512 = arith.constant 1 : i32
        %while3A_513 = scf.for %while3A_517 = %while3A_504 to %while3A_511 step %while3A_512 iter_args(%while3A_518 = %while3A_505) -> (i32)  : i32 {
          %mul3A_519 = arith.constant 1024 : i32
          %mul3A_520 = arith.muli %while3A_464#0, %mul3A_519 : i32
          %mul3A_521 = arith.constant 16 : i32
          %mul3A_522 = arith.muli %while3A_517, %mul3A_521 : i32
          %add3A_523 = arith.addi %mul3A_520, %mul3A_522 : i32
          %get3A = arith.index_cast %add3A_523 : i32 to index
          %get3A_524 = tpu.vector_load %arg12[%get3A] {strides = array<i32>} : memref<11024xi32, #tpu.memory_space<vmem>>, vector<16xi32>,
          %mul3A_525 = arith.constant 16 : i32
          %mul3A_526 = arith.muli %while3A_517, %mul3A_525 : i32
          %swap3A_527 = arith.index_cast %mul3A_526 : i32 to index
          %swap3A_528 = tpu.vector_load %arg12[%swap3A_527] {strides = array<i32>} : memref<11024xi32, #tpu.memory_space<vmem>>, vector<16xi32>,
          tpu.vector_store %arg12[%swap3A_527], %get3A_524 {strides = array<i32>} : memref<11024xi32, #tpu.memory_space<vmem>>, vector<16xi32>,
          %while3A_529 = arith.constant 0 : i32
          scf.yield %while3A_529 : i32
        }
        %while3A_514 = arith.constant 1 : i32
        %while3A_515 = scf.for %while3A_517 = %while3A_511 to %while3A_507 step %while3A_514 iter_args(%while3A_518 = %while3A_513) -> (i32)  : i32 {
          %mul3A_519 = arith.constant 1024 : i32
          %mul3A_520 = arith.muli %while3A_464#0, %mul3A_519 : i32
          %mul3A_521 = arith.constant 16 : i32
          %mul3A_522 = arith.muli %while3A_517, %mul3A_521 : i32
          %add3A_523 = arith.addi %mul3A_520, %mul3A_522 : i32
          %get3A = arith.index_cast %add3A_523 : i32 to index
          %get3A_524 = tpu.vector_load %arg12[%get3A] {strides = array<i32>} : memref<11024xi32, #tpu.memory_space<vmem>>, vector<16xi32>,
          %mul3A_525 = arith.constant 16 : i32
          %mul3A_526 = arith.muli %while3A_517, %mul3A_525 : i32
          %swap3A_527 = arith.index_cast %mul3A_526 : i32 to index
          %swap3A_528 = tpu.vector_load %arg12[%swap3A_527] {strides = array<i32>} : memref<11024xi32, #tpu.memory_space<vmem>>, vector<16xi32>,
          tpu.vector_store %arg12[%swap3A_527], %get3A_524 {strides = array<i32>} : memref<11024xi32, #tpu.memory_space<vmem>>, vector<16xi32>,
          %while3A_529 = arith.constant 0 : i32
          scf.yield %while3A_529 : i32
        }
        %cond3A_516 = arith.constant 0 : i32
        scf.yield %sub3A_477, %cond3A_516 : i32, i32
      } else {
        scf.yield %scan3A_461, %while3A_464#0 : i32, i32
      }
      scf.yield %cond3A_474#0, %cond3A_474#1 : i32, i32
    }
    %scan3A_54 = arith.constant 62 : i32
    %dma_wait3A = arith.constant 0 : i32
    %dma_wait3A_55 = tpu.memref_slice %arg9[%dma_wait3A] : memref<10240xf32, #tpu.memory_space<vmem>> -> memref<6000xf32, #tpu.memory_space<vmem>>
    %dma_wait3A_56 = arith.constant 0 : i32
    %dma_wait3A_57 = tpu.memref_slice %arg3[%dma_wait3A_56] : memref<4000000xf32, #tpu.memory_space<hbm>> -> memref<6000xf32, #tpu.memory_space<hbm>>
    %dma_wait3A_58 = arith.constant 0 : i32
    %dma_wait3A_59 = tpu.memref_slice %arg9[%dma_wait3A_58] : memref<10240xf32, #tpu.memory_space<vmem>> -> memref<6000xf32, #tpu.memory_space<vmem>>
    %dma_wait3A_60 = arith.constant 0 : i32
    %dma_wait3A_61 = tpu.memref_slice %arg3[%dma_wait3A_60] : memref<4000000xf32, #tpu.memory_space<hbm>> -> memref<6000xf32, #tpu.memory_space<hbm>>
    tpu.wait_dma2 semaphore(%arg18 : memref<!tpu.dma_semaphore, #tpu.memory_space<semaphore_mem>>) src(%dma_wait3A_61 : memref<6000xf32, #tpu.memory_space<hbm>>) dst(%dma_wait3A_59 : memref<6000xf32, #tpu.memory_space<vmem>>)
    %scan3A_62 = arith.constant 0 : i32
    %scan3A_63 = arith.constant 125 : i32
    %scan3A_64 = arith.addi %scan3A_62, %scan3A_63 : i32
    %scan3A_65 = arith.constant 1 : i32
    %scan3A_66 = scf.for %scan3A_365 = %scan3A_62 to %scan3A_64 step %scan3A_65 iter_args(%scan3A_366 = %scan3A_53#0) -> (i32)  : i32 {
      %mul3A_367 = arith.constant 16 : i32
      %mul3A_368 = arith.muli %scan3A_365, %mul3A_367 : i32
      %add3A_369 = arith.constant 8000 : i32
      %add3A_370 = arith.addi %add3A_369, %mul3A_368 : i32
      %get3A = arith.index_cast %add3A_370 : i32 to index
      %get3A_371 = tpu.vector_load %arg9[%get3A] {strides = array<i32>} : memref<10240xf32, #tpu.memory_space<vmem>>, vector<16xf32>,
      %convert_element_type3A_372 = arith.fptosi %get3A_371 : vector<16xf32> to vector<16xi32>
      %get3A_373 = arith.index_cast %add3A_370 : i32 to index
      %get3A_374 = tpu.vector_load %arg10[%get3A_373] {strides = array<i32>} : memref<10240xf32, #tpu.memory_space<vmem>>, vector<16xf32>,
      %convert_element_type3A_375 = arith.fptosi %get3A_374 : vector<16xf32> to vector<16xi32>
      %get3A_376 = arith.index_cast %add3A_370 : i32 to index
      %get3A_377 = tpu.vector_load %arg11[%get3A_376] {strides = array<i32>} : memref<10240xf32, #tpu.memory_space<vmem>>, vector<16xf32>,
      %convert_element_type3A_378 = arith.fptosi %get3A_377 : vector<16xf32> to vector<16xi32>
      %shift_left3A = arith.constant 14 : i32
      %shift_left3A_379 = vector.broadcast %shift_left3A : i32 to vector<16xi32>
      %shift_left3A_380 = arith.shli %convert_element_type3A_372, %shift_left3A_379 : vector<16xi32>
      %shift_left3A_381 = arith.constant 7 : i32
      %shift_left3A_382 = vector.broadcast %shift_left3A_381 : i32 to vector<16xi32>
      %shift_left3A_383 = arith.shli %convert_element_type3A_375, %shift_left3A_382 : vector<16xi32>
      %add3A_384 = arith.addi %shift_left3A_380, %shift_left3A_383 : vector<16xi32>
      %add3A_385 = arith.addi %add3A_384, %convert_element_type3A_378 : vector<16xi32>
      %sub3A_386 = vector.broadcast %mul3A_46 : i32 to vector<16xi32>
      %sub3A_387 = arith.subi %add3A_385, %sub3A_386 : vector<16xi32>
      %lt3A = arith.constant 1048576 : i32
      %lt3A_388 = vector.broadcast %lt3A : i32 to vector<16xi32>
      %lt3A_389 = arith.cmpi ult, %sub3A_387, %lt3A_388 : vector<16xi32>
      %swap3A_390 = arith.index_cast %scan3A_366 : i32 to index
      %swap3A_391 = tpu.vector_load %arg12[%swap3A_390] masked %lt3A_389 {strides = array<i32>} : memref<11024xi32, #tpu.memory_space<vmem>>, vector<16xi32>, vector<16xi1>
      tpu.vector_store %arg12[%swap3A_390], %sub3A_387 masked %lt3A_389 {strides = array<i32>} : memref<11024xi32, #tpu.memory_space<vmem>>, vector<16xi32>, vector<16xi1>
      %all_reduce_population_count3A = tpu.all_reduce %lt3A_389 {dim = 0 : i64, kind = #tpu.reduction_kind<sum>} : vector<16xi1> -> vector<16xi32>
      %slice3A = vector.extract_strided_slice %all_reduce_population_count3A {offsets = [0], sizes = [1], strides = [1]} : vector<16xi32> to vector<1xi32>
      %squeeze3A = vector.extract %slice3A[0] : i32 from vector<1xi32>
      %add3A_392 = arith.addi %scan3A_366, %squeeze3A : i32
      scf.yield %add3A_392 : i32
    }
    %scan3A_67 = arith.constant 125 : i32
    %while3A = arith.constant 0 : i32
    %while3A_68:2 = scf.while (%while3A_365 = %scan3A_53#1, %while3A_366 = %while3A) : (i32, i32) -> (i32, i32) {
      %add3A_367 = arith.constant 1 : i32
      %add3A_368 = arith.addi %while3A_365, %add3A_367 : i32
      %mul3A_369 = arith.constant 1024 : i32
      %mul3A_370 = arith.muli %add3A_368, %mul3A_369 : i32
      %le3A = arith.cmpi sle, %mul3A_370, %scan3A_66 : i32
      scf.condition(%le3A) %while3A_365, %while3A_366 : i32, i32
    } do {
    ^bb0(%while3A_365: i32, %while3A_366: i32):
      %mul3A_367 = arith.constant 1024 : i32
      %mul3A_368 = arith.muli %while3A_365, %mul3A_367 : i32
      "tpu.region"() ({
        %run_scoped3A = tpu.sem_alloc : memref<!tpu.dma_semaphore, #tpu.memory_space<semaphore_mem>>
        %dma_start3A_372 = tpu.memref_slice %arg12[%mul3A_368] : memref<11024xi32, #tpu.memory_space<vmem>> -> memref<1024xi32, #tpu.memory_space<vmem>>
        %dma_start3A_373 = arith.constant 0 : i32
        %dma_start3A_374 = tpu.memref_slice %arg8[%dma_start3A_373] : memref<1048832xf32, #tpu.memory_space<vmem_shared>> -> memref<1048832xf32, #tpu.memory_space<vmem_shared>>
        tpu.enqueue_indirect_dma source(%arg13 : memref<1024xf32, #tpu.memory_space<vmem>>) target(%dma_start3A_374 : memref<1048832xf32, #tpu.memory_space<vmem_shared>>) offsets(%dma_start3A_372 : memref<1024xi32, #tpu.memory_space<vmem>>) semaphore(%run_scoped3A : memref<!tpu.dma_semaphore, #tpu.memory_space<semaphore_mem>>) {add = true}
        %dma_wait3A_375 = tpu.memref_slice %arg12[%mul3A_368] : memref<11024xi32, #tpu.memory_space<vmem>> -> memref<1024xi32, #tpu.memory_space<vmem>>
        %dma_wait3A_376 = arith.constant 0 : i32
        %dma_wait3A_377 = tpu.memref_slice %arg8[%dma_wait3A_376] : memref<1048832xf32, #tpu.memory_space<vmem_shared>> -> memref<1048832xf32, #tpu.memory_space<vmem_shared>>
        tpu.wait_indirect_dma semaphore(%run_scoped3A : memref<!tpu.dma_semaphore, #tpu.memory_space<semaphore_mem>>) src(%arg13 : memref<1024xf32, #tpu.memory_space<vmem>>) dst(%dma_wait3A_377 : memref<1048832xf32, #tpu.memory_space<vmem_shared>>)
        tpu.yield
      }) : () -> ()
      %add3A_369 = arith.constant 1 : i32
      %add3A_370 = arith.addi %while3A_365, %add3A_369 : i32
      %while3A_371 = arith.constant 0 : i32
      scf.yield %add3A_370, %while3A_371 : i32, i32
    }
    %add3A = arith.constant 2000 : i32
    %add3A_69 = arith.addi %scan3A_66, %add3A : i32
    %add3A_70 = arith.constant 16 : i32
    %add3A_71 = arith.addi %add3A_69, %add3A_70 : i32
    %gt3A = arith.constant 11024 : i32
    %gt3A_72 = arith.cmpi sgt, %add3A_71, %gt3A : i32
    %convert_element_type3A_73 = arith.extui %gt3A_72 : i1 to i32
    %cond3A_74 = arith.constant 0 : i32
    %cond3A_75 = arith.cmpi ne, %convert_element_type3A_73, %cond3A_74 : i32
    %cond3A_76:2 = scf.if %cond3A_75 -> (i32, i32) {
      %mul3A_365 = arith.constant 1024 : i32
      %mul3A_366 = arith.muli %while3A_68#0, %mul3A_365 : i32
      %sub3A_367 = arith.subi %scan3A_66, %mul3A_366 : i32
      %add3A_368 = arith.constant 15 : i32
      %add3A_369 = arith.addi %sub3A_367, %add3A_368 : i32
      %jit3A_370 = arith.constant 16 : i32
      %div3A_371 = arith.divsi %add3A_369, %jit3A_370 : i32
      %sign3A_372 = arith.constant 0 : i32
      %sign3A_373 = arith.cmpi sgt, %add3A_369, %sign3A_372 : i32
      %sign3A_374 = arith.extui %sign3A_373 : i1 to i32
      %sign3A_375 = arith.constant 0 : i32
      %sign3A_376 = arith.cmpi slt, %add3A_369, %sign3A_375 : i32
      %sign3A_377 = arith.extui %sign3A_376 : i1 to i32
      %sign3A_378 = arith.subi %sign3A_374, %sign3A_377 : i32
      %sign3A_379 = arith.constant 0 : i32
      %sign3A_380 = arith.cmpi sgt, %jit3A_370, %sign3A_379 : i32
      %sign3A_381 = arith.extui %sign3A_380 : i1 to i32
      %sign3A_382 = arith.constant 0 : i32
      %sign3A_383 = arith.cmpi slt, %jit3A_370, %sign3A_382 : i32
      %sign3A_384 = arith.extui %sign3A_383 : i1 to i32
      %sign3A_385 = arith.subi %sign3A_381, %sign3A_384 : i32
      %ne3A_386 = arith.cmpi ne, %sign3A_378, %sign3A_385 : i32
      %rem3A_387 = arith.remsi %add3A_369, %jit3A_370 : i32
      %ne3A_388 = arith.constant 0 : i32
      %ne3A_389 = arith.cmpi ne, %rem3A_387, %ne3A_388 : i32
      %and3A_390 = arith.andi %ne3A_386, %ne3A_389 : i1
      %sub3A_391 = arith.constant 1 : i32
      %sub3A_392 = arith.subi %div3A_371, %sub3A_391 : i32
      %select_n3A_393 = arith.select %and3A_390, %sub3A_392, %div3A_371 : i32
      %while3A_394 = arith.constant 0 : i32
      %while3A_395 = arith.constant 0 : i32
      %while3A_396 = arith.subi %select_n3A_393, %while3A_394 : i32
      %while3A_397 = arith.addi %while3A_394, %while3A_396 : i32
      %while3A_398 = arith.constant 1 : i32
      %while3A_399 = arith.divsi %while3A_396, %while3A_398 : i32
      %while3A_400 = arith.muli %while3A_399, %while3A_398 : i32
      %while3A_401 = arith.addi %while3A_394, %while3A_400 : i32
      %while3A_402 = arith.constant 1 : i32
      %while3A_403 = scf.for %while3A_407 = %while3A_394 to %while3A_401 step %while3A_402 iter_args(%while3A_408 = %while3A_395) -> (i32)  : i32 {
        %mul3A_409 = arith.constant 1024 : i32
        %mul3A_410 = arith.muli %while3A_68#0, %mul3A_409 : i32
        %mul3A_411 = arith.constant 16 : i32
        %mul3A_412 = arith.muli %while3A_407, %mul3A_411 : i32
        %add3A_413 = arith.addi %mul3A_410, %mul3A_412 : i32
        %get3A = arith.index_cast %add3A_413 : i32 to index
        %get3A_414 = tpu.vector_load %arg12[%get3A] {strides = array<i32>} : memref<11024xi32, #tpu.memory_space<vmem>>, vector<16xi32>,
        %mul3A_415 = arith.constant 16 : i32
        %mul3A_416 = arith.muli %while3A_407, %mul3A_415 : i32
        %swap3A_417 = arith.index_cast %mul3A_416 : i32 to index
        %swap3A_418 = tpu.vector_load %arg12[%swap3A_417] {strides = array<i32>} : memref<11024xi32, #tpu.memory_space<vmem>>, vector<16xi32>,
        tpu.vector_store %arg12[%swap3A_417], %get3A_414 {strides = array<i32>} : memref<11024xi32, #tpu.memory_space<vmem>>, vector<16xi32>,
        %while3A_419 = arith.constant 0 : i32
        scf.yield %while3A_419 : i32
      }
      %while3A_404 = arith.constant 1 : i32
      %while3A_405 = scf.for %while3A_407 = %while3A_401 to %while3A_397 step %while3A_404 iter_args(%while3A_408 = %while3A_403) -> (i32)  : i32 {
        %mul3A_409 = arith.constant 1024 : i32
        %mul3A_410 = arith.muli %while3A_68#0, %mul3A_409 : i32
        %mul3A_411 = arith.constant 16 : i32
        %mul3A_412 = arith.muli %while3A_407, %mul3A_411 : i32
        %add3A_413 = arith.addi %mul3A_410, %mul3A_412 : i32
        %get3A = arith.index_cast %add3A_413 : i32 to index
        %get3A_414 = tpu.vector_load %arg12[%get3A] {strides = array<i32>} : memref<11024xi32, #tpu.memory_space<vmem>>, vector<16xi32>,
        %mul3A_415 = arith.constant 16 : i32
        %mul3A_416 = arith.muli %while3A_407, %mul3A_415 : i32
        %swap3A_417 = arith.index_cast %mul3A_416 : i32 to index
        %swap3A_418 = tpu.vector_load %arg12[%swap3A_417] {strides = array<i32>} : memref<11024xi32, #tpu.memory_space<vmem>>, vector<16xi32>,
        tpu.vector_store %arg12[%swap3A_417], %get3A_414 {strides = array<i32>} : memref<11024xi32, #tpu.memory_space<vmem>>, vector<16xi32>,
        %while3A_419 = arith.constant 0 : i32
        scf.yield %while3A_419 : i32
      }
      %cond3A_406 = arith.constant 0 : i32
      scf.yield %sub3A_367, %cond3A_406 : i32, i32
    } else {
      scf.yield %scan3A_66, %while3A_68#0 : i32, i32
    }
    %mul3A_77 = arith.constant 1024 : i32
    %mul3A_78 = arith.muli %cond3A_76#1, %mul3A_77 : i32
    %sub3A = arith.subi %cond3A_76#0, %mul3A_78 : i32
    %add3A_79 = arith.constant 0 : i32
    %add3A_80 = arith.addi %cond3A_76#0, %add3A_79 : i32
    %swap3A = arith.index_cast %add3A_80 : i32 to index
    %swap3A_81 = tpu.vector_load %arg12[%swap3A] {strides = array<i32>} : memref<11024xi32, #tpu.memory_space<vmem>>, vector<16xi32>,
    tpu.vector_store %arg12[%swap3A], %broadcast_in_dim3A_4 {strides = array<i32>} : memref<11024xi32, #tpu.memory_space<vmem>>, vector<16xi32>,
    %add3A_82 = arith.constant 16 : i32
    %add3A_83 = arith.addi %cond3A_76#0, %add3A_82 : i32
    %swap3A_84 = arith.index_cast %add3A_83 : i32 to index
    %swap3A_85 = tpu.vector_load %arg12[%swap3A_84] {strides = array<i32>} : memref<11024xi32, #tpu.memory_space<vmem>>, vector<16xi32>,
    tpu.vector_store %arg12[%swap3A_84], %broadcast_in_dim3A_4 {strides = array<i32>} : memref<11024xi32, #tpu.memory_space<vmem>>, vector<16xi32>,
    %add3A_86 = arith.constant 32 : i32
    %add3A_87 = arith.addi %cond3A_76#0, %add3A_86 : i32
    %swap3A_88 = arith.index_cast %add3A_87 : i32 to index
    %swap3A_89 = tpu.vector_load %arg12[%swap3A_88] {strides = array<i32>} : memref<11024xi32, #tpu.memory_space<vmem>>, vector<16xi32>,
    tpu.vector_store %arg12[%swap3A_88], %broadcast_in_dim3A_4 {strides = array<i32>} : memref<11024xi32, #tpu.memory_space<vmem>>, vector<16xi32>,
    %add3A_90 = arith.constant 48 : i32
    %add3A_91 = arith.addi %cond3A_76#0, %add3A_90 : i32
    %swap3A_92 = arith.index_cast %add3A_91 : i32 to index
    %swap3A_93 = tpu.vector_load %arg12[%swap3A_92] {strides = array<i32>} : memref<11024xi32, #tpu.memory_space<vmem>>, vector<16xi32>,
    tpu.vector_store %arg12[%swap3A_92], %broadcast_in_dim3A_4 {strides = array<i32>} : memref<11024xi32, #tpu.memory_space<vmem>>, vector<16xi32>,
    %add3A_94 = arith.constant 64 : i32
    %add3A_95 = arith.addi %cond3A_76#0, %add3A_94 : i32
    %swap3A_96 = arith.index_cast %add3A_95 : i32 to index
    %swap3A_97 = tpu.vector_load %arg12[%swap3A_96] {strides = array<i32>} : memref<11024xi32, #tpu.memory_space<vmem>>, vector<16xi32>,
    tpu.vector_store %arg12[%swap3A_96], %broadcast_in_dim3A_4 {strides = array<i32>} : memref<11024xi32, #tpu.memory_space<vmem>>, vector<16xi32>,
    %add3A_98 = arith.constant 80 : i32
    %add3A_99 = arith.addi %cond3A_76#0, %add3A_98 : i32
    %swap3A_100 = arith.index_cast %add3A_99 : i32 to index
    %swap3A_101 = tpu.vector_load %arg12[%swap3A_100] {strides = array<i32>} : memref<11024xi32, #tpu.memory_space<vmem>>, vector<16xi32>,
    tpu.vector_store %arg12[%swap3A_100], %broadcast_in_dim3A_4 {strides = array<i32>} : memref<11024xi32, #tpu.memory_space<vmem>>, vector<16xi32>,
    %add3A_102 = arith.constant 96 : i32
    %add3A_103 = arith.addi %cond3A_76#0, %add3A_102 : i32
    %swap3A_104 = arith.index_cast %add3A_103 : i32 to index
    %swap3A_105 = tpu.vector_load %arg12[%swap3A_104] {strides = array<i32>} : memref<11024xi32, #tpu.memory_space<vmem>>, vector<16xi32>,
    tpu.vector_store %arg12[%swap3A_104], %broadcast_in_dim3A_4 {strides = array<i32>} : memref<11024xi32, #tpu.memory_space<vmem>>, vector<16xi32>,
    %add3A_106 = arith.constant 112 : i32
    %add3A_107 = arith.addi %cond3A_76#0, %add3A_106 : i32
    %swap3A_108 = arith.index_cast %add3A_107 : i32 to index
    %swap3A_109 = tpu.vector_load %arg12[%swap3A_108] {strides = array<i32>} : memref<11024xi32, #tpu.memory_space<vmem>>, vector<16xi32>,
    tpu.vector_store %arg12[%swap3A_108], %broadcast_in_dim3A_4 {strides = array<i32>} : memref<11024xi32, #tpu.memory_space<vmem>>, vector<16xi32>,
    %add3A_110 = arith.constant 128 : i32
    %add3A_111 = arith.addi %cond3A_76#0, %add3A_110 : i32
    %swap3A_112 = arith.index_cast %add3A_111 : i32 to index
    %swap3A_113 = tpu.vector_load %arg12[%swap3A_112] {strides = array<i32>} : memref<11024xi32, #tpu.memory_space<vmem>>, vector<16xi32>,
    tpu.vector_store %arg12[%swap3A_112], %broadcast_in_dim3A_4 {strides = array<i32>} : memref<11024xi32, #tpu.memory_space<vmem>>, vector<16xi32>,
    %add3A_114 = arith.constant 144 : i32
    %add3A_115 = arith.addi %cond3A_76#0, %add3A_114 : i32
    %swap3A_116 = arith.index_cast %add3A_115 : i32 to index
    %swap3A_117 = tpu.vector_load %arg12[%swap3A_116] {strides = array<i32>} : memref<11024xi32, #tpu.memory_space<vmem>>, vector<16xi32>,
    tpu.vector_store %arg12[%swap3A_116], %broadcast_in_dim3A_4 {strides = array<i32>} : memref<11024xi32, #tpu.memory_space<vmem>>, vector<16xi32>,
    %add3A_118 = arith.constant 160 : i32
    %add3A_119 = arith.addi %cond3A_76#0, %add3A_118 : i32
    %swap3A_120 = arith.index_cast %add3A_119 : i32 to index
    %swap3A_121 = tpu.vector_load %arg12[%swap3A_120] {strides = array<i32>} : memref<11024xi32, #tpu.memory_space<vmem>>, vector<16xi32>,
    tpu.vector_store %arg12[%swap3A_120], %broadcast_in_dim3A_4 {strides = array<i32>} : memref<11024xi32, #tpu.memory_space<vmem>>, vector<16xi32>,
    %add3A_122 = arith.constant 176 : i32
    %add3A_123 = arith.addi %cond3A_76#0, %add3A_122 : i32
    %swap3A_124 = arith.index_cast %add3A_123 : i32 to index
    %swap3A_125 = tpu.vector_load %arg12[%swap3A_124] {strides = array<i32>} : memref<11024xi32, #tpu.memory_space<vmem>>, vector<16xi32>,
    tpu.vector_store %arg12[%swap3A_124], %broadcast_in_dim3A_4 {strides = array<i32>} : memref<11024xi32, #tpu.memory_space<vmem>>, vector<16xi32>,
    %add3A_126 = arith.constant 192 : i32
    %add3A_127 = arith.addi %cond3A_76#0, %add3A_126 : i32
    %swap3A_128 = arith.index_cast %add3A_127 : i32 to index
    %swap3A_129 = tpu.vector_load %arg12[%swap3A_128] {strides = array<i32>} : memref<11024xi32, #tpu.memory_space<vmem>>, vector<16xi32>,
    tpu.vector_store %arg12[%swap3A_128], %broadcast_in_dim3A_4 {strides = array<i32>} : memref<11024xi32, #tpu.memory_space<vmem>>, vector<16xi32>,
    %add3A_130 = arith.constant 208 : i32
    %add3A_131 = arith.addi %cond3A_76#0, %add3A_130 : i32
    %swap3A_132 = arith.index_cast %add3A_131 : i32 to index
    %swap3A_133 = tpu.vector_load %arg12[%swap3A_132] {strides = array<i32>} : memref<11024xi32, #tpu.memory_space<vmem>>, vector<16xi32>,
    tpu.vector_store %arg12[%swap3A_132], %broadcast_in_dim3A_4 {strides = array<i32>} : memref<11024xi32, #tpu.memory_space<vmem>>, vector<16xi32>,
    %add3A_134 = arith.constant 224 : i32
    %add3A_135 = arith.addi %cond3A_76#0, %add3A_134 : i32
    %swap3A_136 = arith.index_cast %add3A_135 : i32 to index
    %swap3A_137 = tpu.vector_load %arg12[%swap3A_136] {strides = array<i32>} : memref<11024xi32, #tpu.memory_space<vmem>>, vector<16xi32>,
    tpu.vector_store %arg12[%swap3A_136], %broadcast_in_dim3A_4 {strides = array<i32>} : memref<11024xi32, #tpu.memory_space<vmem>>, vector<16xi32>,
    %add3A_138 = arith.constant 240 : i32
    %add3A_139 = arith.addi %cond3A_76#0, %add3A_138 : i32
    %swap3A_140 = arith.index_cast %add3A_139 : i32 to index
    %swap3A_141 = tpu.vector_load %arg12[%swap3A_140] {strides = array<i32>} : memref<11024xi32, #tpu.memory_space<vmem>>, vector<16xi32>,
    tpu.vector_store %arg12[%swap3A_140], %broadcast_in_dim3A_4 {strides = array<i32>} : memref<11024xi32, #tpu.memory_space<vmem>>, vector<16xi32>,
    %add3A_142 = arith.constant 256 : i32
    %add3A_143 = arith.addi %cond3A_76#0, %add3A_142 : i32
    %swap3A_144 = arith.index_cast %add3A_143 : i32 to index
    %swap3A_145 = tpu.vector_load %arg12[%swap3A_144] {strides = array<i32>} : memref<11024xi32, #tpu.memory_space<vmem>>, vector<16xi32>,
    tpu.vector_store %arg12[%swap3A_144], %broadcast_in_dim3A_4 {strides = array<i32>} : memref<11024xi32, #tpu.memory_space<vmem>>, vector<16xi32>,
    %add3A_146 = arith.constant 272 : i32
    %add3A_147 = arith.addi %cond3A_76#0, %add3A_146 : i32
    %swap3A_148 = arith.index_cast %add3A_147 : i32 to index
    %swap3A_149 = tpu.vector_load %arg12[%swap3A_148] {strides = array<i32>} : memref<11024xi32, #tpu.memory_space<vmem>>, vector<16xi32>,
    tpu.vector_store %arg12[%swap3A_148], %broadcast_in_dim3A_4 {strides = array<i32>} : memref<11024xi32, #tpu.memory_space<vmem>>, vector<16xi32>,
    %add3A_150 = arith.constant 288 : i32
    %add3A_151 = arith.addi %cond3A_76#0, %add3A_150 : i32
    %swap3A_152 = arith.index_cast %add3A_151 : i32 to index
    %swap3A_153 = tpu.vector_load %arg12[%swap3A_152] {strides = array<i32>} : memref<11024xi32, #tpu.memory_space<vmem>>, vector<16xi32>,
    tpu.vector_store %arg12[%swap3A_152], %broadcast_in_dim3A_4 {strides = array<i32>} : memref<11024xi32, #tpu.memory_space<vmem>>, vector<16xi32>,
    %add3A_154 = arith.constant 304 : i32
    %add3A_155 = arith.addi %cond3A_76#0, %add3A_154 : i32
    %swap3A_156 = arith.index_cast %add3A_155 : i32 to index
    %swap3A_157 = tpu.vector_load %arg12[%swap3A_156] {strides = array<i32>} : memref<11024xi32, #tpu.memory_space<vmem>>, vector<16xi32>,
    tpu.vector_store %arg12[%swap3A_156], %broadcast_in_dim3A_4 {strides = array<i32>} : memref<11024xi32, #tpu.memory_space<vmem>>, vector<16xi32>,
    %add3A_158 = arith.constant 320 : i32
    %add3A_159 = arith.addi %cond3A_76#0, %add3A_158 : i32
    %swap3A_160 = arith.index_cast %add3A_159 : i32 to index
    %swap3A_161 = tpu.vector_load %arg12[%swap3A_160] {strides = array<i32>} : memref<11024xi32, #tpu.memory_space<vmem>>, vector<16xi32>,
    tpu.vector_store %arg12[%swap3A_160], %broadcast_in_dim3A_4 {strides = array<i32>} : memref<11024xi32, #tpu.memory_space<vmem>>, vector<16xi32>,
    %add3A_162 = arith.constant 336 : i32
    %add3A_163 = arith.addi %cond3A_76#0, %add3A_162 : i32
    %swap3A_164 = arith.index_cast %add3A_163 : i32 to index
    %swap3A_165 = tpu.vector_load %arg12[%swap3A_164] {strides = array<i32>} : memref<11024xi32, #tpu.memory_space<vmem>>, vector<16xi32>,
    tpu.vector_store %arg12[%swap3A_164], %broadcast_in_dim3A_4 {strides = array<i32>} : memref<11024xi32, #tpu.memory_space<vmem>>, vector<16xi32>,
    %add3A_166 = arith.constant 352 : i32
    %add3A_167 = arith.addi %cond3A_76#0, %add3A_166 : i32
    %swap3A_168 = arith.index_cast %add3A_167 : i32 to index
    %swap3A_169 = tpu.vector_load %arg12[%swap3A_168] {strides = array<i32>} : memref<11024xi32, #tpu.memory_space<vmem>>, vector<16xi32>,
    tpu.vector_store %arg12[%swap3A_168], %broadcast_in_dim3A_4 {strides = array<i32>} : memref<11024xi32, #tpu.memory_space<vmem>>, vector<16xi32>,
    %add3A_170 = arith.constant 368 : i32
    %add3A_171 = arith.addi %cond3A_76#0, %add3A_170 : i32
    %swap3A_172 = arith.index_cast %add3A_171 : i32 to index
    %swap3A_173 = tpu.vector_load %arg12[%swap3A_172] {strides = array<i32>} : memref<11024xi32, #tpu.memory_space<vmem>>, vector<16xi32>,
    tpu.vector_store %arg12[%swap3A_172], %broadcast_in_dim3A_4 {strides = array<i32>} : memref<11024xi32, #tpu.memory_space<vmem>>, vector<16xi32>,
    %add3A_174 = arith.constant 384 : i32
    %add3A_175 = arith.addi %cond3A_76#0, %add3A_174 : i32
    %swap3A_176 = arith.index_cast %add3A_175 : i32 to index
    %swap3A_177 = tpu.vector_load %arg12[%swap3A_176] {strides = array<i32>} : memref<11024xi32, #tpu.memory_space<vmem>>, vector<16xi32>,
    tpu.vector_store %arg12[%swap3A_176], %broadcast_in_dim3A_4 {strides = array<i32>} : memref<11024xi32, #tpu.memory_space<vmem>>, vector<16xi32>,
    %add3A_178 = arith.constant 400 : i32
    %add3A_179 = arith.addi %cond3A_76#0, %add3A_178 : i32
    %swap3A_180 = arith.index_cast %add3A_179 : i32 to index
    %swap3A_181 = tpu.vector_load %arg12[%swap3A_180] {strides = array<i32>} : memref<11024xi32, #tpu.memory_space<vmem>>, vector<16xi32>,
    tpu.vector_store %arg12[%swap3A_180], %broadcast_in_dim3A_4 {strides = array<i32>} : memref<11024xi32, #tpu.memory_space<vmem>>, vector<16xi32>,
    %add3A_182 = arith.constant 416 : i32
    %add3A_183 = arith.addi %cond3A_76#0, %add3A_182 : i32
    %swap3A_184 = arith.index_cast %add3A_183 : i32 to index
    %swap3A_185 = tpu.vector_load %arg12[%swap3A_184] {strides = array<i32>} : memref<11024xi32, #tpu.memory_space<vmem>>, vector<16xi32>,
    tpu.vector_store %arg12[%swap3A_184], %broadcast_in_dim3A_4 {strides = array<i32>} : memref<11024xi32, #tpu.memory_space<vmem>>, vector<16xi32>,
    %add3A_186 = arith.constant 432 : i32
    %add3A_187 = arith.addi %cond3A_76#0, %add3A_186 : i32
    %swap3A_188 = arith.index_cast %add3A_187 : i32 to index
    %swap3A_189 = tpu.vector_load %arg12[%swap3A_188] {strides = array<i32>} : memref<11024xi32, #tpu.memory_space<vmem>>, vector<16xi32>,
    tpu.vector_store %arg12[%swap3A_188], %broadcast_in_dim3A_4 {strides = array<i32>} : memref<11024xi32, #tpu.memory_space<vmem>>, vector<16xi32>,
    %add3A_190 = arith.constant 448 : i32
    %add3A_191 = arith.addi %cond3A_76#0, %add3A_190 : i32
    %swap3A_192 = arith.index_cast %add3A_191 : i32 to index
    %swap3A_193 = tpu.vector_load %arg12[%swap3A_192] {strides = array<i32>} : memref<11024xi32, #tpu.memory_space<vmem>>, vector<16xi32>,
    tpu.vector_store %arg12[%swap3A_192], %broadcast_in_dim3A_4 {strides = array<i32>} : memref<11024xi32, #tpu.memory_space<vmem>>, vector<16xi32>,
    %add3A_194 = arith.constant 464 : i32
    %add3A_195 = arith.addi %cond3A_76#0, %add3A_194 : i32
    %swap3A_196 = arith.index_cast %add3A_195 : i32 to index
    %swap3A_197 = tpu.vector_load %arg12[%swap3A_196] {strides = array<i32>} : memref<11024xi32, #tpu.memory_space<vmem>>, vector<16xi32>,
    tpu.vector_store %arg12[%swap3A_196], %broadcast_in_dim3A_4 {strides = array<i32>} : memref<11024xi32, #tpu.memory_space<vmem>>, vector<16xi32>,
    %add3A_198 = arith.constant 480 : i32
    %add3A_199 = arith.addi %cond3A_76#0, %add3A_198 : i32
    %swap3A_200 = arith.index_cast %add3A_199 : i32 to index
    %swap3A_201 = tpu.vector_load %arg12[%swap3A_200] {strides = array<i32>} : memref<11024xi32, #tpu.memory_space<vmem>>, vector<16xi32>,
    tpu.vector_store %arg12[%swap3A_200], %broadcast_in_dim3A_4 {strides = array<i32>} : memref<11024xi32, #tpu.memory_space<vmem>>, vector<16xi32>,
    %add3A_202 = arith.constant 496 : i32
    %add3A_203 = arith.addi %cond3A_76#0, %add3A_202 : i32
    %swap3A_204 = arith.index_cast %add3A_203 : i32 to index
    %swap3A_205 = tpu.vector_load %arg12[%swap3A_204] {strides = array<i32>} : memref<11024xi32, #tpu.memory_space<vmem>>, vector<16xi32>,
    tpu.vector_store %arg12[%swap3A_204], %broadcast_in_dim3A_4 {strides = array<i32>} : memref<11024xi32, #tpu.memory_space<vmem>>, vector<16xi32>,
    %add3A_206 = arith.constant 512 : i32
    %add3A_207 = arith.addi %cond3A_76#0, %add3A_206 : i32
    %swap3A_208 = arith.index_cast %add3A_207 : i32 to index
    %swap3A_209 = tpu.vector_load %arg12[%swap3A_208] {strides = array<i32>} : memref<11024xi32, #tpu.memory_space<vmem>>, vector<16xi32>,
    tpu.vector_store %arg12[%swap3A_208], %broadcast_in_dim3A_4 {strides = array<i32>} : memref<11024xi32, #tpu.memory_space<vmem>>, vector<16xi32>,
    %add3A_210 = arith.constant 528 : i32
    %add3A_211 = arith.addi %cond3A_76#0, %add3A_210 : i32
    %swap3A_212 = arith.index_cast %add3A_211 : i32 to index
    %swap3A_213 = tpu.vector_load %arg12[%swap3A_212] {strides = array<i32>} : memref<11024xi32, #tpu.memory_space<vmem>>, vector<16xi32>,
    tpu.vector_store %arg12[%swap3A_212], %broadcast_in_dim3A_4 {strides = array<i32>} : memref<11024xi32, #tpu.memory_space<vmem>>, vector<16xi32>,
    %add3A_214 = arith.constant 544 : i32
    %add3A_215 = arith.addi %cond3A_76#0, %add3A_214 : i32
    %swap3A_216 = arith.index_cast %add3A_215 : i32 to index
    %swap3A_217 = tpu.vector_load %arg12[%swap3A_216] {strides = array<i32>} : memref<11024xi32, #tpu.memory_space<vmem>>, vector<16xi32>,
    tpu.vector_store %arg12[%swap3A_216], %broadcast_in_dim3A_4 {strides = array<i32>} : memref<11024xi32, #tpu.memory_space<vmem>>, vector<16xi32>,
    %add3A_218 = arith.constant 560 : i32
    %add3A_219 = arith.addi %cond3A_76#0, %add3A_218 : i32
    %swap3A_220 = arith.index_cast %add3A_219 : i32 to index
    %swap3A_221 = tpu.vector_load %arg12[%swap3A_220] {strides = array<i32>} : memref<11024xi32, #tpu.memory_space<vmem>>, vector<16xi32>,
    tpu.vector_store %arg12[%swap3A_220], %broadcast_in_dim3A_4 {strides = array<i32>} : memref<11024xi32, #tpu.memory_space<vmem>>, vector<16xi32>,
    %add3A_222 = arith.constant 576 : i32
    %add3A_223 = arith.addi %cond3A_76#0, %add3A_222 : i32
    %swap3A_224 = arith.index_cast %add3A_223 : i32 to index
    %swap3A_225 = tpu.vector_load %arg12[%swap3A_224] {strides = array<i32>} : memref<11024xi32, #tpu.memory_space<vmem>>, vector<16xi32>,
    tpu.vector_store %arg12[%swap3A_224], %broadcast_in_dim3A_4 {strides = array<i32>} : memref<11024xi32, #tpu.memory_space<vmem>>, vector<16xi32>,
    %add3A_226 = arith.constant 592 : i32
    %add3A_227 = arith.addi %cond3A_76#0, %add3A_226 : i32
    %swap3A_228 = arith.index_cast %add3A_227 : i32 to index
    %swap3A_229 = tpu.vector_load %arg12[%swap3A_228] {strides = array<i32>} : memref<11024xi32, #tpu.memory_space<vmem>>, vector<16xi32>,
    tpu.vector_store %arg12[%swap3A_228], %broadcast_in_dim3A_4 {strides = array<i32>} : memref<11024xi32, #tpu.memory_space<vmem>>, vector<16xi32>,
    %add3A_230 = arith.constant 608 : i32
    %add3A_231 = arith.addi %cond3A_76#0, %add3A_230 : i32
    %swap3A_232 = arith.index_cast %add3A_231 : i32 to index
    %swap3A_233 = tpu.vector_load %arg12[%swap3A_232] {strides = array<i32>} : memref<11024xi32, #tpu.memory_space<vmem>>, vector<16xi32>,
    tpu.vector_store %arg12[%swap3A_232], %broadcast_in_dim3A_4 {strides = array<i32>} : memref<11024xi32, #tpu.memory_space<vmem>>, vector<16xi32>,
    %add3A_234 = arith.constant 624 : i32
    %add3A_235 = arith.addi %cond3A_76#0, %add3A_234 : i32
    %swap3A_236 = arith.index_cast %add3A_235 : i32 to index
    %swap3A_237 = tpu.vector_load %arg12[%swap3A_236] {strides = array<i32>} : memref<11024xi32, #tpu.memory_space<vmem>>, vector<16xi32>,
    tpu.vector_store %arg12[%swap3A_236], %broadcast_in_dim3A_4 {strides = array<i32>} : memref<11024xi32, #tpu.memory_space<vmem>>, vector<16xi32>,
    %add3A_238 = arith.constant 640 : i32
    %add3A_239 = arith.addi %cond3A_76#0, %add3A_238 : i32
    %swap3A_240 = arith.index_cast %add3A_239 : i32 to index
    %swap3A_241 = tpu.vector_load %arg12[%swap3A_240] {strides = array<i32>} : memref<11024xi32, #tpu.memory_space<vmem>>, vector<16xi32>,
    tpu.vector_store %arg12[%swap3A_240], %broadcast_in_dim3A_4 {strides = array<i32>} : memref<11024xi32, #tpu.memory_space<vmem>>, vector<16xi32>,
    %add3A_242 = arith.constant 656 : i32
    %add3A_243 = arith.addi %cond3A_76#0, %add3A_242 : i32
    %swap3A_244 = arith.index_cast %add3A_243 : i32 to index
    %swap3A_245 = tpu.vector_load %arg12[%swap3A_244] {strides = array<i32>} : memref<11024xi32, #tpu.memory_space<vmem>>, vector<16xi32>,
    tpu.vector_store %arg12[%swap3A_244], %broadcast_in_dim3A_4 {strides = array<i32>} : memref<11024xi32, #tpu.memory_space<vmem>>, vector<16xi32>,
    %add3A_246 = arith.constant 672 : i32
    %add3A_247 = arith.addi %cond3A_76#0, %add3A_246 : i32
    %swap3A_248 = arith.index_cast %add3A_247 : i32 to index
    %swap3A_249 = tpu.vector_load %arg12[%swap3A_248] {strides = array<i32>} : memref<11024xi32, #tpu.memory_space<vmem>>, vector<16xi32>,
    tpu.vector_store %arg12[%swap3A_248], %broadcast_in_dim3A_4 {strides = array<i32>} : memref<11024xi32, #tpu.memory_space<vmem>>, vector<16xi32>,
    %add3A_250 = arith.constant 688 : i32
    %add3A_251 = arith.addi %cond3A_76#0, %add3A_250 : i32
    %swap3A_252 = arith.index_cast %add3A_251 : i32 to index
    %swap3A_253 = tpu.vector_load %arg12[%swap3A_252] {strides = array<i32>} : memref<11024xi32, #tpu.memory_space<vmem>>, vector<16xi32>,
    tpu.vector_store %arg12[%swap3A_252], %broadcast_in_dim3A_4 {strides = array<i32>} : memref<11024xi32, #tpu.memory_space<vmem>>, vector<16xi32>,
    %add3A_254 = arith.constant 704 : i32
    %add3A_255 = arith.addi %cond3A_76#0, %add3A_254 : i32
    %swap3A_256 = arith.index_cast %add3A_255 : i32 to index
    %swap3A_257 = tpu.vector_load %arg12[%swap3A_256] {strides = array<i32>} : memref<11024xi32, #tpu.memory_space<vmem>>, vector<16xi32>,
    tpu.vector_store %arg12[%swap3A_256], %broadcast_in_dim3A_4 {strides = array<i32>} : memref<11024xi32, #tpu.memory_space<vmem>>, vector<16xi32>,
    %add3A_258 = arith.constant 720 : i32
    %add3A_259 = arith.addi %cond3A_76#0, %add3A_258 : i32
    %swap3A_260 = arith.index_cast %add3A_259 : i32 to index
    %swap3A_261 = tpu.vector_load %arg12[%swap3A_260] {strides = array<i32>} : memref<11024xi32, #tpu.memory_space<vmem>>, vector<16xi32>,
    tpu.vector_store %arg12[%swap3A_260], %broadcast_in_dim3A_4 {strides = array<i32>} : memref<11024xi32, #tpu.memory_space<vmem>>, vector<16xi32>,
    %add3A_262 = arith.constant 736 : i32
    %add3A_263 = arith.addi %cond3A_76#0, %add3A_262 : i32
    %swap3A_264 = arith.index_cast %add3A_263 : i32 to index
    %swap3A_265 = tpu.vector_load %arg12[%swap3A_264] {strides = array<i32>} : memref<11024xi32, #tpu.memory_space<vmem>>, vector<16xi32>,
    tpu.vector_store %arg12[%swap3A_264], %broadcast_in_dim3A_4 {strides = array<i32>} : memref<11024xi32, #tpu.memory_space<vmem>>, vector<16xi32>,
    %add3A_266 = arith.constant 752 : i32
    %add3A_267 = arith.addi %cond3A_76#0, %add3A_266 : i32
    %swap3A_268 = arith.index_cast %add3A_267 : i32 to index
    %swap3A_269 = tpu.vector_load %arg12[%swap3A_268] {strides = array<i32>} : memref<11024xi32, #tpu.memory_space<vmem>>, vector<16xi32>,
    tpu.vector_store %arg12[%swap3A_268], %broadcast_in_dim3A_4 {strides = array<i32>} : memref<11024xi32, #tpu.memory_space<vmem>>, vector<16xi32>,
    %add3A_270 = arith.constant 768 : i32
    %add3A_271 = arith.addi %cond3A_76#0, %add3A_270 : i32
    %swap3A_272 = arith.index_cast %add3A_271 : i32 to index
    %swap3A_273 = tpu.vector_load %arg12[%swap3A_272] {strides = array<i32>} : memref<11024xi32, #tpu.memory_space<vmem>>, vector<16xi32>,
    tpu.vector_store %arg12[%swap3A_272], %broadcast_in_dim3A_4 {strides = array<i32>} : memref<11024xi32, #tpu.memory_space<vmem>>, vector<16xi32>,
    %add3A_274 = arith.constant 784 : i32
    %add3A_275 = arith.addi %cond3A_76#0, %add3A_274 : i32
    %swap3A_276 = arith.index_cast %add3A_275 : i32 to index
    %swap3A_277 = tpu.vector_load %arg12[%swap3A_276] {strides = array<i32>} : memref<11024xi32, #tpu.memory_space<vmem>>, vector<16xi32>,
    tpu.vector_store %arg12[%swap3A_276], %broadcast_in_dim3A_4 {strides = array<i32>} : memref<11024xi32, #tpu.memory_space<vmem>>, vector<16xi32>,
    %add3A_278 = arith.constant 800 : i32
    %add3A_279 = arith.addi %cond3A_76#0, %add3A_278 : i32
    %swap3A_280 = arith.index_cast %add3A_279 : i32 to index
    %swap3A_281 = tpu.vector_load %arg12[%swap3A_280] {strides = array<i32>} : memref<11024xi32, #tpu.memory_space<vmem>>, vector<16xi32>,
    tpu.vector_store %arg12[%swap3A_280], %broadcast_in_dim3A_4 {strides = array<i32>} : memref<11024xi32, #tpu.memory_space<vmem>>, vector<16xi32>,
    %add3A_282 = arith.constant 816 : i32
    %add3A_283 = arith.addi %cond3A_76#0, %add3A_282 : i32
    %swap3A_284 = arith.index_cast %add3A_283 : i32 to index
    %swap3A_285 = tpu.vector_load %arg12[%swap3A_284] {strides = array<i32>} : memref<11024xi32, #tpu.memory_space<vmem>>, vector<16xi32>,
    tpu.vector_store %arg12[%swap3A_284], %broadcast_in_dim3A_4 {strides = array<i32>} : memref<11024xi32, #tpu.memory_space<vmem>>, vector<16xi32>,
    %add3A_286 = arith.constant 832 : i32
    %add3A_287 = arith.addi %cond3A_76#0, %add3A_286 : i32
    %swap3A_288 = arith.index_cast %add3A_287 : i32 to index
    %swap3A_289 = tpu.vector_load %arg12[%swap3A_288] {strides = array<i32>} : memref<11024xi32, #tpu.memory_space<vmem>>, vector<16xi32>,
    tpu.vector_store %arg12[%swap3A_288], %broadcast_in_dim3A_4 {strides = array<i32>} : memref<11024xi32, #tpu.memory_space<vmem>>, vector<16xi32>,
    %add3A_290 = arith.constant 848 : i32
    %add3A_291 = arith.addi %cond3A_76#0, %add3A_290 : i32
    %swap3A_292 = arith.index_cast %add3A_291 : i32 to index
    %swap3A_293 = tpu.vector_load %arg12[%swap3A_292] {strides = array<i32>} : memref<11024xi32, #tpu.memory_space<vmem>>, vector<16xi32>,
    tpu.vector_store %arg12[%swap3A_292], %broadcast_in_dim3A_4 {strides = array<i32>} : memref<11024xi32, #tpu.memory_space<vmem>>, vector<16xi32>,
    %add3A_294 = arith.constant 864 : i32
    %add3A_295 = arith.addi %cond3A_76#0, %add3A_294 : i32
    %swap3A_296 = arith.index_cast %add3A_295 : i32 to index
    %swap3A_297 = tpu.vector_load %arg12[%swap3A_296] {strides = array<i32>} : memref<11024xi32, #tpu.memory_space<vmem>>, vector<16xi32>,
    tpu.vector_store %arg12[%swap3A_296], %broadcast_in_dim3A_4 {strides = array<i32>} : memref<11024xi32, #tpu.memory_space<vmem>>, vector<16xi32>,
    %add3A_298 = arith.constant 880 : i32
    %add3A_299 = arith.addi %cond3A_76#0, %add3A_298 : i32
    %swap3A_300 = arith.index_cast %add3A_299 : i32 to index
    %swap3A_301 = tpu.vector_load %arg12[%swap3A_300] {strides = array<i32>} : memref<11024xi32, #tpu.memory_space<vmem>>, vector<16xi32>,
    tpu.vector_store %arg12[%swap3A_300], %broadcast_in_dim3A_4 {strides = array<i32>} : memref<11024xi32, #tpu.memory_space<vmem>>, vector<16xi32>,
    %add3A_302 = arith.constant 896 : i32
    %add3A_303 = arith.addi %cond3A_76#0, %add3A_302 : i32
    %swap3A_304 = arith.index_cast %add3A_303 : i32 to index
    %swap3A_305 = tpu.vector_load %arg12[%swap3A_304] {strides = array<i32>} : memref<11024xi32, #tpu.memory_space<vmem>>, vector<16xi32>,
    tpu.vector_store %arg12[%swap3A_304], %broadcast_in_dim3A_4 {strides = array<i32>} : memref<11024xi32, #tpu.memory_space<vmem>>, vector<16xi32>,
    %add3A_306 = arith.constant 912 : i32
    %add3A_307 = arith.addi %cond3A_76#0, %add3A_306 : i32
    %swap3A_308 = arith.index_cast %add3A_307 : i32 to index
    %swap3A_309 = tpu.vector_load %arg12[%swap3A_308] {strides = array<i32>} : memref<11024xi32, #tpu.memory_space<vmem>>, vector<16xi32>,
    tpu.vector_store %arg12[%swap3A_308], %broadcast_in_dim3A_4 {strides = array<i32>} : memref<11024xi32, #tpu.memory_space<vmem>>, vector<16xi32>,
    %add3A_310 = arith.constant 928 : i32
    %add3A_311 = arith.addi %cond3A_76#0, %add3A_310 : i32
    %swap3A_312 = arith.index_cast %add3A_311 : i32 to index
    %swap3A_313 = tpu.vector_load %arg12[%swap3A_312] {strides = array<i32>} : memref<11024xi32, #tpu.memory_space<vmem>>, vector<16xi32>,
    tpu.vector_store %arg12[%swap3A_312], %broadcast_in_dim3A_4 {strides = array<i32>} : memref<11024xi32, #tpu.memory_space<vmem>>, vector<16xi32>,
    %add3A_314 = arith.constant 944 : i32
    %add3A_315 = arith.addi %cond3A_76#0, %add3A_314 : i32
    %swap3A_316 = arith.index_cast %add3A_315 : i32 to index
    %swap3A_317 = tpu.vector_load %arg12[%swap3A_316] {strides = array<i32>} : memref<11024xi32, #tpu.memory_space<vmem>>, vector<16xi32>,
    tpu.vector_store %arg12[%swap3A_316], %broadcast_in_dim3A_4 {strides = array<i32>} : memref<11024xi32, #tpu.memory_space<vmem>>, vector<16xi32>,
    %add3A_318 = arith.constant 960 : i32
    %add3A_319 = arith.addi %cond3A_76#0, %add3A_318 : i32
    %swap3A_320 = arith.index_cast %add3A_319 : i32 to index
    %swap3A_321 = tpu.vector_load %arg12[%swap3A_320] {strides = array<i32>} : memref<11024xi32, #tpu.memory_space<vmem>>, vector<16xi32>,
    tpu.vector_store %arg12[%swap3A_320], %broadcast_in_dim3A_4 {strides = array<i32>} : memref<11024xi32, #tpu.memory_space<vmem>>, vector<16xi32>,
    %add3A_322 = arith.constant 976 : i32
    %add3A_323 = arith.addi %cond3A_76#0, %add3A_322 : i32
    %swap3A_324 = arith.index_cast %add3A_323 : i32 to index
    %swap3A_325 = tpu.vector_load %arg12[%swap3A_324] {strides = array<i32>} : memref<11024xi32, #tpu.memory_space<vmem>>, vector<16xi32>,
    tpu.vector_store %arg12[%swap3A_324], %broadcast_in_dim3A_4 {strides = array<i32>} : memref<11024xi32, #tpu.memory_space<vmem>>, vector<16xi32>,
    %add3A_326 = arith.constant 992 : i32
    %add3A_327 = arith.addi %cond3A_76#0, %add3A_326 : i32
    %swap3A_328 = arith.index_cast %add3A_327 : i32 to index
    %swap3A_329 = tpu.vector_load %arg12[%swap3A_328] {strides = array<i32>} : memref<11024xi32, #tpu.memory_space<vmem>>, vector<16xi32>,
    tpu.vector_store %arg12[%swap3A_328], %broadcast_in_dim3A_4 {strides = array<i32>} : memref<11024xi32, #tpu.memory_space<vmem>>, vector<16xi32>,
    %add3A_330 = arith.constant 1008 : i32
    %add3A_331 = arith.addi %cond3A_76#0, %add3A_330 : i32
    %swap3A_332 = arith.index_cast %add3A_331 : i32 to index
    %swap3A_333 = tpu.vector_load %arg12[%swap3A_332] {strides = array<i32>} : memref<11024xi32, #tpu.memory_space<vmem>>, vector<16xi32>,
    tpu.vector_store %arg12[%swap3A_332], %broadcast_in_dim3A_4 {strides = array<i32>} : memref<11024xi32, #tpu.memory_space<vmem>>, vector<16xi32>,
    %add3A_334 = arith.constant 1024 : i32
    %add3A_335 = arith.addi %sub3A, %add3A_334 : i32
    %sub3A_336 = arith.constant 1 : i32
    %sub3A_337 = arith.subi %add3A_335, %sub3A_336 : i32
    %jit3A = arith.constant 1024 : i32
    %div3A = arith.divsi %sub3A_337, %jit3A : i32
    %sign3A = arith.constant 0 : i32
    %sign3A_338 = arith.cmpi sgt, %sub3A_337, %sign3A : i32
    %sign3A_339 = arith.extui %sign3A_338 : i1 to i32
    %sign3A_340 = arith.constant 0 : i32
    %sign3A_341 = arith.cmpi slt, %sub3A_337, %sign3A_340 : i32
    %sign3A_342 = arith.extui %sign3A_341 : i1 to i32
    %sign3A_343 = arith.subi %sign3A_339, %sign3A_342 : i32
    %sign3A_344 = arith.constant 0 : i32
    %sign3A_345 = arith.cmpi sgt, %jit3A, %sign3A_344 : i32
    %sign3A_346 = arith.extui %sign3A_345 : i1 to i32
    %sign3A_347 = arith.constant 0 : i32
    %sign3A_348 = arith.cmpi slt, %jit3A, %sign3A_347 : i32
    %sign3A_349 = arith.extui %sign3A_348 : i1 to i32
    %sign3A_350 = arith.subi %sign3A_346, %sign3A_349 : i32
    %ne3A = arith.cmpi ne, %sign3A_343, %sign3A_350 : i32
    %rem3A = arith.remsi %sub3A_337, %jit3A : i32
    %ne3A_351 = arith.constant 0 : i32
    %ne3A_352 = arith.cmpi ne, %rem3A, %ne3A_351 : i32
    %and3A = arith.andi %ne3A, %ne3A_352 : i1
    %sub3A_353 = arith.constant 1 : i32
    %sub3A_354 = arith.subi %div3A, %sub3A_353 : i32
    %select_n3A = arith.select %and3A, %sub3A_354, %div3A : i32
    %while3A_355 = arith.constant 0 : i32
    %while3A_356 = scf.while (%while3A_365 = %while3A_355) : (i32) -> i32 {
      %lt3A = arith.cmpi slt, %while3A_365, %select_n3A : i32
      scf.condition(%lt3A) %while3A_365 : i32
    } do {
    ^bb0(%while3A_365: i32):
      %mul3A_366 = arith.constant 1024 : i32
      %mul3A_367 = arith.muli %while3A_365, %mul3A_366 : i32
      %add3A_368 = arith.addi %mul3A_78, %mul3A_367 : i32
      "tpu.region"() ({
        %run_scoped3A = tpu.sem_alloc : memref<!tpu.dma_semaphore, #tpu.memory_space<semaphore_mem>>
        %dma_start3A_371 = tpu.memref_slice %arg12[%add3A_368] : memref<11024xi32, #tpu.memory_space<vmem>> -> memref<1024xi32, #tpu.memory_space<vmem>>
        %dma_start3A_372 = arith.constant 0 : i32
        %dma_start3A_373 = tpu.memref_slice %arg8[%dma_start3A_372] : memref<1048832xf32, #tpu.memory_space<vmem_shared>> -> memref<1048832xf32, #tpu.memory_space<vmem_shared>>
        tpu.enqueue_indirect_dma source(%arg13 : memref<1024xf32, #tpu.memory_space<vmem>>) target(%dma_start3A_373 : memref<1048832xf32, #tpu.memory_space<vmem_shared>>) offsets(%dma_start3A_371 : memref<1024xi32, #tpu.memory_space<vmem>>) semaphore(%run_scoped3A : memref<!tpu.dma_semaphore, #tpu.memory_space<semaphore_mem>>) {add = true}
        %dma_wait3A_374 = tpu.memref_slice %arg12[%add3A_368] : memref<11024xi32, #tpu.memory_space<vmem>> -> memref<1024xi32, #tpu.memory_space<vmem>>
        %dma_wait3A_375 = arith.constant 0 : i32
        %dma_wait3A_376 = tpu.memref_slice %arg8[%dma_wait3A_375] : memref<1048832xf32, #tpu.memory_space<vmem_shared>> -> memref<1048832xf32, #tpu.memory_space<vmem_shared>>
        tpu.wait_indirect_dma semaphore(%run_scoped3A : memref<!tpu.dma_semaphore, #tpu.memory_space<semaphore_mem>>) src(%arg13 : memref<1024xf32, #tpu.memory_space<vmem>>) dst(%dma_wait3A_376 : memref<1048832xf32, #tpu.memory_space<vmem_shared>>)
        tpu.yield
      }) : () -> ()
      %add3A_369 = arith.constant 1 : i32
      %add3A_370 = arith.addi %while3A_365, %add3A_369 : i32
      scf.yield %add3A_370 : i32
    }
    %barrier3A_357 = arith.constant 0 : index
    tpu.barrier barrier_id(%barrier3A_357)
    %scan3A_358 = arith.constant 0 : i32
    %scan3A_359 = arith.constant 0 : i32
    %scan3A_360 = arith.constant 16 : i32
    %scan3A_361 = arith.addi %scan3A_359, %scan3A_360 : i32
    %scan3A_362 = arith.constant 1 : i32
    %scan3A_363 = scf.for %scan3A_365 = %scan3A_359 to %scan3A_361 step %scan3A_362 iter_args(%scan3A_366 = %scan3A_358) -> (i32)  : i32 {
      %mul3A_367 = arith.constant 65536 : i32
      %mul3A_368 = arith.muli %arg1, %mul3A_367 : i32
      %mul3A_369 = arith.constant 4096 : i32
      %mul3A_370 = arith.muli %scan3A_365, %mul3A_369 : i32
      %add3A_371 = arith.addi %mul3A_368, %mul3A_370 : i32
      %mul3A_372 = arith.constant 1048576 : i32
      %mul3A_373 = arith.muli %arg0, %mul3A_372 : i32
      %add3A_374 = arith.addi %mul3A_373, %add3A_371 : i32
      "tpu.region"() ({
        %run_scoped3A = tpu.sem_alloc : memref<!tpu.dma_semaphore, #tpu.memory_space<semaphore_mem>>
        %dma_start3A_383 = tpu.memref_slice %arg8[%add3A_371] : memref<1048832xf32, #tpu.memory_space<vmem_shared>> -> memref<4096xf32, #tpu.memory_space<vmem_shared>>
        %dma_start3A_384 = tpu.memref_slice %arg8[%add3A_371] : memref<1048832xf32, #tpu.memory_space<vmem_shared>> -> memref<4096xf32, #tpu.memory_space<vmem_shared>>
        tpu.enqueue_dma source(%dma_start3A_384 : memref<4096xf32, #tpu.memory_space<vmem_shared>>) target(%arg15 : memref<4096xf32, #tpu.memory_space<vmem>>) target_semaphore(%run_scoped3A : memref<!tpu.dma_semaphore, #tpu.memory_space<semaphore_mem>>)
        %dma_wait3A_385 = tpu.memref_slice %arg8[%add3A_371] : memref<1048832xf32, #tpu.memory_space<vmem_shared>> -> memref<4096xf32, #tpu.memory_space<vmem_shared>>
        %dma_wait3A_386 = tpu.memref_slice %arg8[%add3A_371] : memref<1048832xf32, #tpu.memory_space<vmem_shared>> -> memref<4096xf32, #tpu.memory_space<vmem_shared>>
        tpu.wait_dma2 semaphore(%run_scoped3A : memref<!tpu.dma_semaphore, #tpu.memory_space<semaphore_mem>>) src(%dma_wait3A_386 : memref<4096xf32, #tpu.memory_space<vmem_shared>>) dst(%arg15 : memref<4096xf32, #tpu.memory_space<vmem>>)
        tpu.yield
      }) : () -> ()
      "tpu.region"() ({
        %run_scoped3A = tpu.sem_alloc : memref<!tpu.dma_semaphore, #tpu.memory_space<semaphore_mem>>
        %dma_start3A_383 = tpu.memref_slice %arg2[%add3A_374] : memref<2097152xf32, #tpu.memory_space<hbm>> -> memref<4096xf32, #tpu.memory_space<hbm>>
        %dma_start3A_384 = tpu.memref_slice %arg2[%add3A_374] : memref<2097152xf32, #tpu.memory_space<hbm>> -> memref<4096xf32, #tpu.memory_space<hbm>>
        tpu.enqueue_dma source(%dma_start3A_384 : memref<4096xf32, #tpu.memory_space<hbm>>) target(%arg16 : memref<4096xf32, #tpu.memory_space<vmem>>) target_semaphore(%run_scoped3A : memref<!tpu.dma_semaphore, #tpu.memory_space<semaphore_mem>>)
        %dma_wait3A_385 = tpu.memref_slice %arg2[%add3A_374] : memref<2097152xf32, #tpu.memory_space<hbm>> -> memref<4096xf32, #tpu.memory_space<hbm>>
        %dma_wait3A_386 = tpu.memref_slice %arg2[%add3A_374] : memref<2097152xf32, #tpu.memory_space<hbm>> -> memref<4096xf32, #tpu.memory_space<hbm>>
        tpu.wait_dma2 semaphore(%run_scoped3A : memref<!tpu.dma_semaphore, #tpu.memory_space<semaphore_mem>>) src(%dma_wait3A_386 : memref<4096xf32, #tpu.memory_space<hbm>>) dst(%arg16 : memref<4096xf32, #tpu.memory_space<vmem>>)
        tpu.yield
      }) : () -> ()
      %scan3A_375 = arith.constant 0 : i32
      %scan3A_376 = arith.constant 0 : i32
      %scan3A_377 = arith.constant 256 : i32
      %scan3A_378 = arith.addi %scan3A_376, %scan3A_377 : i32
      %scan3A_379 = arith.constant 8 : i32
      %scan3A_380 = scf.for %scan3A_383 = %scan3A_376 to %scan3A_378 step %scan3A_379 iter_args(%scan3A_384 = %scan3A_375) -> (i32)  : i32 {
        %mul3A_385 = arith.constant 16 : i32
        %mul3A_386 = arith.muli %scan3A_383, %mul3A_385 : i32
        %get3A = arith.index_cast %mul3A_386 : i32 to index
        %get3A_387 = tpu.vector_load %arg15[%get3A] {strides = array<i32>} : memref<4096xf32, #tpu.memory_space<vmem>>, vector<16xf32>,
        %mul3A_388 = arith.constant 16 : i32
        %mul3A_389 = arith.muli %scan3A_383, %mul3A_388 : i32
        %get3A_390 = arith.index_cast %mul3A_389 : i32 to index
        %get3A_391 = tpu.vector_load %arg16[%get3A_390] {strides = array<i32>} : memref<4096xf32, #tpu.memory_space<vmem>>, vector<16xf32>,
        %gt3A_392 = arith.constant 0.000000e+00 : f32
        %gt3A_393 = vector.broadcast %gt3A_392 : f32 to vector<16xf32>
        %gt3A_394 = arith.cmpf ogt, %get3A_387, %gt3A_393 : vector<16xf32>
        %select_n3A_395 = arith.select %gt3A_394, %get3A_391, %broadcast_in_dim3A_0 : vector<16xi1>, vector<16xf32>
        %mul3A_396 = arith.constant 16 : i32
        %mul3A_397 = arith.muli %scan3A_383, %mul3A_396 : i32
        %swap3A_398 = arith.index_cast %mul3A_397 : i32 to index
        %swap3A_399 = tpu.vector_load %arg17[%swap3A_398] {strides = array<i32>} : memref<4096xf32, #tpu.memory_space<vmem>>, vector<16xf32>,
        tpu.vector_store %arg17[%swap3A_398], %select_n3A_395 {strides = array<i32>} : memref<4096xf32, #tpu.memory_space<vmem>>, vector<16xf32>,
        %scan3A_400 = arith.constant 0 : i32
        %scan3A_401 = arith.constant 1 : i32
        %scan3A_402 = arith.addi %scan3A_383, %scan3A_401 : i32
        %mul3A_403 = arith.constant 16 : i32
        %mul3A_404 = arith.muli %scan3A_402, %mul3A_403 : i32
        %get3A_405 = arith.index_cast %mul3A_404 : i32 to index
        %get3A_406 = tpu.vector_load %arg15[%get3A_405] {strides = array<i32>} : memref<4096xf32, #tpu.memory_space<vmem>>, vector<16xf32>,
        %mul3A_407 = arith.constant 16 : i32
        %mul3A_408 = arith.muli %scan3A_402, %mul3A_407 : i32
        %get3A_409 = arith.index_cast %mul3A_408 : i32 to index
        %get3A_410 = tpu.vector_load %arg16[%get3A_409] {strides = array<i32>} : memref<4096xf32, #tpu.memory_space<vmem>>, vector<16xf32>,
        %gt3A_411 = arith.constant 0.000000e+00 : f32
        %gt3A_412 = vector.broadcast %gt3A_411 : f32 to vector<16xf32>
        %gt3A_413 = arith.cmpf ogt, %get3A_406, %gt3A_412 : vector<16xf32>
        %select_n3A_414 = arith.select %gt3A_413, %get3A_410, %broadcast_in_dim3A_0 : vector<16xi1>, vector<16xf32>
        %mul3A_415 = arith.constant 16 : i32
        %mul3A_416 = arith.muli %scan3A_402, %mul3A_415 : i32
        %swap3A_417 = arith.index_cast %mul3A_416 : i32 to index
        %swap3A_418 = tpu.vector_load %arg17[%swap3A_417] {strides = array<i32>} : memref<4096xf32, #tpu.memory_space<vmem>>, vector<16xf32>,
        tpu.vector_store %arg17[%swap3A_417], %select_n3A_414 {strides = array<i32>} : memref<4096xf32, #tpu.memory_space<vmem>>, vector<16xf32>,
        %scan3A_419 = arith.constant 0 : i32
        %scan3A_420 = arith.constant 2 : i32
        %scan3A_421 = arith.addi %scan3A_383, %scan3A_420 : i32
        %mul3A_422 = arith.constant 16 : i32
        %mul3A_423 = arith.muli %scan3A_421, %mul3A_422 : i32
        %get3A_424 = arith.index_cast %mul3A_423 : i32 to index
        %get3A_425 = tpu.vector_load %arg15[%get3A_424] {strides = array<i32>} : memref<4096xf32, #tpu.memory_space<vmem>>, vector<16xf32>,
        %mul3A_426 = arith.constant 16 : i32
        %mul3A_427 = arith.muli %scan3A_421, %mul3A_426 : i32
        %get3A_428 = arith.index_cast %mul3A_427 : i32 to index
        %get3A_429 = tpu.vector_load %arg16[%get3A_428] {strides = array<i32>} : memref<4096xf32, #tpu.memory_space<vmem>>, vector<16xf32>,
        %gt3A_430 = arith.constant 0.000000e+00 : f32
        %gt3A_431 = vector.broadcast %gt3A_430 : f32 to vector<16xf32>
        %gt3A_432 = arith.cmpf ogt, %get3A_425, %gt3A_431 : vector<16xf32>
        %select_n3A_433 = arith.select %gt3A_432, %get3A_429, %broadcast_in_dim3A_0 : vector<16xi1>, vector<16xf32>
        %mul3A_434 = arith.constant 16 : i32
        %mul3A_435 = arith.muli %scan3A_421, %mul3A_434 : i32
        %swap3A_436 = arith.index_cast %mul3A_435 : i32 to index
        %swap3A_437 = tpu.vector_load %arg17[%swap3A_436] {strides = array<i32>} : memref<4096xf32, #tpu.memory_space<vmem>>, vector<16xf32>,
        tpu.vector_store %arg17[%swap3A_436], %select_n3A_433 {strides = array<i32>} : memref<4096xf32, #tpu.memory_space<vmem>>, vector<16xf32>,
        %scan3A_438 = arith.constant 0 : i32
        %scan3A_439 = arith.constant 3 : i32
        %scan3A_440 = arith.addi %scan3A_383, %scan3A_439 : i32
        %mul3A_441 = arith.constant 16 : i32
        %mul3A_442 = arith.muli %scan3A_440, %mul3A_441 : i32
        %get3A_443 = arith.index_cast %mul3A_442 : i32 to index
        %get3A_444 = tpu.vector_load %arg15[%get3A_443] {strides = array<i32>} : memref<4096xf32, #tpu.memory_space<vmem>>, vector<16xf32>,
        %mul3A_445 = arith.constant 16 : i32
        %mul3A_446 = arith.muli %scan3A_440, %mul3A_445 : i32
        %get3A_447 = arith.index_cast %mul3A_446 : i32 to index
        %get3A_448 = tpu.vector_load %arg16[%get3A_447] {strides = array<i32>} : memref<4096xf32, #tpu.memory_space<vmem>>, vector<16xf32>,
        %gt3A_449 = arith.constant 0.000000e+00 : f32
        %gt3A_450 = vector.broadcast %gt3A_449 : f32 to vector<16xf32>
        %gt3A_451 = arith.cmpf ogt, %get3A_444, %gt3A_450 : vector<16xf32>
        %select_n3A_452 = arith.select %gt3A_451, %get3A_448, %broadcast_in_dim3A_0 : vector<16xi1>, vector<16xf32>
        %mul3A_453 = arith.constant 16 : i32
        %mul3A_454 = arith.muli %scan3A_440, %mul3A_453 : i32
        %swap3A_455 = arith.index_cast %mul3A_454 : i32 to index
        %swap3A_456 = tpu.vector_load %arg17[%swap3A_455] {strides = array<i32>} : memref<4096xf32, #tpu.memory_space<vmem>>, vector<16xf32>,
        tpu.vector_store %arg17[%swap3A_455], %select_n3A_452 {strides = array<i32>} : memref<4096xf32, #tpu.memory_space<vmem>>, vector<16xf32>,
        %scan3A_457 = arith.constant 0 : i32
        %scan3A_458 = arith.constant 4 : i32
        %scan3A_459 = arith.addi %scan3A_383, %scan3A_458 : i32
        %mul3A_460 = arith.constant 16 : i32
        %mul3A_461 = arith.muli %scan3A_459, %mul3A_460 : i32
        %get3A_462 = arith.index_cast %mul3A_461 : i32 to index
        %get3A_463 = tpu.vector_load %arg15[%get3A_462] {strides = array<i32>} : memref<4096xf32, #tpu.memory_space<vmem>>, vector<16xf32>,
        %mul3A_464 = arith.constant 16 : i32
        %mul3A_465 = arith.muli %scan3A_459, %mul3A_464 : i32
        %get3A_466 = arith.index_cast %mul3A_465 : i32 to index
        %get3A_467 = tpu.vector_load %arg16[%get3A_466] {strides = array<i32>} : memref<4096xf32, #tpu.memory_space<vmem>>, vector<16xf32>,
        %gt3A_468 = arith.constant 0.000000e+00 : f32
        %gt3A_469 = vector.broadcast %gt3A_468 : f32 to vector<16xf32>
        %gt3A_470 = arith.cmpf ogt, %get3A_463, %gt3A_469 : vector<16xf32>
        %select_n3A_471 = arith.select %gt3A_470, %get3A_467, %broadcast_in_dim3A_0 : vector<16xi1>, vector<16xf32>
        %mul3A_472 = arith.constant 16 : i32
        %mul3A_473 = arith.muli %scan3A_459, %mul3A_472 : i32
        %swap3A_474 = arith.index_cast %mul3A_473 : i32 to index
        %swap3A_475 = tpu.vector_load %arg17[%swap3A_474] {strides = array<i32>} : memref<4096xf32, #tpu.memory_space<vmem>>, vector<16xf32>,
        tpu.vector_store %arg17[%swap3A_474], %select_n3A_471 {strides = array<i32>} : memref<4096xf32, #tpu.memory_space<vmem>>, vector<16xf32>,
        %scan3A_476 = arith.constant 0 : i32
        %scan3A_477 = arith.constant 5 : i32
        %scan3A_478 = arith.addi %scan3A_383, %scan3A_477 : i32
        %mul3A_479 = arith.constant 16 : i32
        %mul3A_480 = arith.muli %scan3A_478, %mul3A_479 : i32
        %get3A_481 = arith.index_cast %mul3A_480 : i32 to index
        %get3A_482 = tpu.vector_load %arg15[%get3A_481] {strides = array<i32>} : memref<4096xf32, #tpu.memory_space<vmem>>, vector<16xf32>,
        %mul3A_483 = arith.constant 16 : i32
        %mul3A_484 = arith.muli %scan3A_478, %mul3A_483 : i32
        %get3A_485 = arith.index_cast %mul3A_484 : i32 to index
        %get3A_486 = tpu.vector_load %arg16[%get3A_485] {strides = array<i32>} : memref<4096xf32, #tpu.memory_space<vmem>>, vector<16xf32>,
        %gt3A_487 = arith.constant 0.000000e+00 : f32
        %gt3A_488 = vector.broadcast %gt3A_487 : f32 to vector<16xf32>
        %gt3A_489 = arith.cmpf ogt, %get3A_482, %gt3A_488 : vector<16xf32>
        %select_n3A_490 = arith.select %gt3A_489, %get3A_486, %broadcast_in_dim3A_0 : vector<16xi1>, vector<16xf32>
        %mul3A_491 = arith.constant 16 : i32
        %mul3A_492 = arith.muli %scan3A_478, %mul3A_491 : i32
        %swap3A_493 = arith.index_cast %mul3A_492 : i32 to index
        %swap3A_494 = tpu.vector_load %arg17[%swap3A_493] {strides = array<i32>} : memref<4096xf32, #tpu.memory_space<vmem>>, vector<16xf32>,
        tpu.vector_store %arg17[%swap3A_493], %select_n3A_490 {strides = array<i32>} : memref<4096xf32, #tpu.memory_space<vmem>>, vector<16xf32>,
        %scan3A_495 = arith.constant 0 : i32
        %scan3A_496 = arith.constant 6 : i32
        %scan3A_497 = arith.addi %scan3A_383, %scan3A_496 : i32
        %mul3A_498 = arith.constant 16 : i32
        %mul3A_499 = arith.muli %scan3A_497, %mul3A_498 : i32
        %get3A_500 = arith.index_cast %mul3A_499 : i32 to index
        %get3A_501 = tpu.vector_load %arg15[%get3A_500] {strides = array<i32>} : memref<4096xf32, #tpu.memory_space<vmem>>, vector<16xf32>,
        %mul3A_502 = arith.constant 16 : i32
        %mul3A_503 = arith.muli %scan3A_497, %mul3A_502 : i32
        %get3A_504 = arith.index_cast %mul3A_503 : i32 to index
        %get3A_505 = tpu.vector_load %arg16[%get3A_504] {strides = array<i32>} : memref<4096xf32, #tpu.memory_space<vmem>>, vector<16xf32>,
        %gt3A_506 = arith.constant 0.000000e+00 : f32
        %gt3A_507 = vector.broadcast %gt3A_506 : f32 to vector<16xf32>
        %gt3A_508 = arith.cmpf ogt, %get3A_501, %gt3A_507 : vector<16xf32>
        %select_n3A_509 = arith.select %gt3A_508, %get3A_505, %broadcast_in_dim3A_0 : vector<16xi1>, vector<16xf32>
        %mul3A_510 = arith.constant 16 : i32
        %mul3A_511 = arith.muli %scan3A_497, %mul3A_510 : i32
        %swap3A_512 = arith.index_cast %mul3A_511 : i32 to index
        %swap3A_513 = tpu.vector_load %arg17[%swap3A_512] {strides = array<i32>} : memref<4096xf32, #tpu.memory_space<vmem>>, vector<16xf32>,
        tpu.vector_store %arg17[%swap3A_512], %select_n3A_509 {strides = array<i32>} : memref<4096xf32, #tpu.memory_space<vmem>>, vector<16xf32>,
        %scan3A_514 = arith.constant 0 : i32
        %scan3A_515 = arith.constant 7 : i32
        %scan3A_516 = arith.addi %scan3A_383, %scan3A_515 : i32
        %mul3A_517 = arith.constant 16 : i32
        %mul3A_518 = arith.muli %scan3A_516, %mul3A_517 : i32
        %get3A_519 = arith.index_cast %mul3A_518 : i32 to index
        %get3A_520 = tpu.vector_load %arg15[%get3A_519] {strides = array<i32>} : memref<4096xf32, #tpu.memory_space<vmem>>, vector<16xf32>,
        %mul3A_521 = arith.constant 16 : i32
        %mul3A_522 = arith.muli %scan3A_516, %mul3A_521 : i32
        %get3A_523 = arith.index_cast %mul3A_522 : i32 to index
        %get3A_524 = tpu.vector_load %arg16[%get3A_523] {strides = array<i32>} : memref<4096xf32, #tpu.memory_space<vmem>>, vector<16xf32>,
        %gt3A_525 = arith.constant 0.000000e+00 : f32
        %gt3A_526 = vector.broadcast %gt3A_525 : f32 to vector<16xf32>
        %gt3A_527 = arith.cmpf ogt, %get3A_520, %gt3A_526 : vector<16xf32>
        %select_n3A_528 = arith.select %gt3A_527, %get3A_524, %broadcast_in_dim3A_0 : vector<16xi1>, vector<16xf32>
        %mul3A_529 = arith.constant 16 : i32
        %mul3A_530 = arith.muli %scan3A_516, %mul3A_529 : i32
        %swap3A_531 = arith.index_cast %mul3A_530 : i32 to index
        %swap3A_532 = tpu.vector_load %arg17[%swap3A_531] {strides = array<i32>} : memref<4096xf32, #tpu.memory_space<vmem>>, vector<16xf32>,
        tpu.vector_store %arg17[%swap3A_531], %select_n3A_528 {strides = array<i32>} : memref<4096xf32, #tpu.memory_space<vmem>>, vector<16xf32>,
        %scan3A_533 = arith.constant 0 : i32
        scf.yield %scan3A_533 : i32
      }
      %scan3A_381 = arith.constant 256 : i32
      "tpu.region"() ({
        %run_scoped3A = tpu.sem_alloc : memref<!tpu.dma_semaphore, #tpu.memory_space<semaphore_mem>>
        %dma_start3A_383 = tpu.memref_slice %arg6[%add3A_374] : memref<2097152xf32, #tpu.memory_space<hbm>> -> memref<4096xf32, #tpu.memory_space<hbm>>
        %dma_start3A_384 = tpu.memref_slice %arg6[%add3A_374] : memref<2097152xf32, #tpu.memory_space<hbm>> -> memref<4096xf32, #tpu.memory_space<hbm>>
        tpu.enqueue_dma source(%arg15 : memref<4096xf32, #tpu.memory_space<vmem>>) target(%dma_start3A_384 : memref<4096xf32, #tpu.memory_space<hbm>>) target_semaphore(%run_scoped3A : memref<!tpu.dma_semaphore, #tpu.memory_space<semaphore_mem>>)
        %dma_wait3A_385 = tpu.memref_slice %arg6[%add3A_374] : memref<2097152xf32, #tpu.memory_space<hbm>> -> memref<4096xf32, #tpu.memory_space<hbm>>
        %dma_wait3A_386 = tpu.memref_slice %arg6[%add3A_374] : memref<2097152xf32, #tpu.memory_space<hbm>> -> memref<4096xf32, #tpu.memory_space<hbm>>
        tpu.wait_dma2 semaphore(%run_scoped3A : memref<!tpu.dma_semaphore, #tpu.memory_space<semaphore_mem>>) src(%arg15 : memref<4096xf32, #tpu.memory_space<vmem>>) dst(%dma_wait3A_386 : memref<4096xf32, #tpu.memory_space<hbm>>)
        tpu.yield
      }) : () -> ()
      "tpu.region"() ({
        %run_scoped3A = tpu.sem_alloc : memref<!tpu.dma_semaphore, #tpu.memory_space<semaphore_mem>>
        %dma_start3A_383 = tpu.memref_slice %arg7[%add3A_374] : memref<2097152xf32, #tpu.memory_space<hbm>> -> memref<4096xf32, #tpu.memory_space<hbm>>
        %dma_start3A_384 = tpu.memref_slice %arg7[%add3A_374] : memref<2097152xf32, #tpu.memory_space<hbm>> -> memref<4096xf32, #tpu.memory_space<hbm>>
        tpu.enqueue_dma source(%arg17 : memref<4096xf32, #tpu.memory_space<vmem>>) target(%dma_start3A_384 : memref<4096xf32, #tpu.memory_space<hbm>>) target_semaphore(%run_scoped3A : memref<!tpu.dma_semaphore, #tpu.memory_space<semaphore_mem>>)
        %dma_wait3A_385 = tpu.memref_slice %arg7[%add3A_374] : memref<2097152xf32, #tpu.memory_space<hbm>> -> memref<4096xf32, #tpu.memory_space<hbm>>
        %dma_wait3A_386 = tpu.memref_slice %arg7[%add3A_374] : memref<2097152xf32, #tpu.memory_space<hbm>> -> memref<4096xf32, #tpu.memory_space<hbm>>
        tpu.wait_dma2 semaphore(%run_scoped3A : memref<!tpu.dma_semaphore, #tpu.memory_space<semaphore_mem>>) src(%arg17 : memref<4096xf32, #tpu.memory_space<vmem>>) dst(%dma_wait3A_386 : memref<4096xf32, #tpu.memory_space<hbm>>)
        tpu.yield
      }) : () -> ()
      %scan3A_382 = arith.constant 0 : i32
      scf.yield %scan3A_382 : i32
    }
    %scan3A_364 = arith.constant 16 : i32
    return
  }
}

</mosaic_0001>

<sc_bundles>
// kernel: _run.3.cloned.1.call-start
scs
__scs_entry_jumppad:
0x0: {  	(pc) =	sbr.rel $0x88, $3  }
0x1: {  	(tag) =	ssettag $0x0;
	lr =	simm.s32 $0x1  }
0x2: {  	[smem:$0x3F9D] =	sst lr;
	_ =	strace $0xD0000000  }
0x3: {  	_ = 	snop  }
0x4: {  	_ = 	snop  }
0x5: {  	_ = 	snop  }
0x6: {  	_ = 	snop  }
0x7: {  	_ = 	snop  }
__scs_overlays_trampoline_lowered:
0x8: {  	[smem:$0x3FAC] =	sst s0  }
0x9: {  	[smem:$0x3FAD] =	sst s1  }
0xa: {  	[smem:$0x3FAE] =	sst s2  }
0xb: {  	[smem:$0x3FAF] =	sst s3  }
0xc: {  	[smem:$0x3FB0] =	sst s4  }
0xd: {  	[smem:$0x3FB1] =	sst s5  }
0xe: {  	[smem:$0x3FB2] =	sst s6  }
0xf: {  	[smem:$0x3FB3] =	sst s7  }
0x10: {  	[smem:$0x3FB4] =	sst s8  }
0x11: {  	[smem:$0x3FB5] =	sst s9;
	s0 =	simm.s32 @!p0 $0x0  }
0x12: {  	s1 =	sld [smem:$0x3F9B];
	s0 =	simm.s32 @p0 $0x1  }
0x13: {  	[smem:$0x3FB6] =	sst s0;
	s0 =	simm.s32 @!p1 $0x0  }
0x14: {  	s2 =	sld [smem:$0x3F9A];
	s0 =	simm.s32 @p1 $0x1  }
0x15: {  	[smem:$0x3FB7] =	sst s0;
	s0 =	simm.s32 @!p2 $0x0  }
0x16: {  	s3 =	sld [smem:$0x3FDB];
	s0 =	simm.s32 @p2 $0x1  }
0x17: {  	s4 =	simm.s32 $0x1BF5;
	[smem:$0x3FB9] =	sst s0  }
0x18: {  	s0 =	sld [smem:$0x3F9C];
	_ =	swait.ge [sflag:s4], $0x0  }
0x19: {  	s7 =	sld [smem:$0x3F9D]  }
0x1a: {  	s8 =	sadd.s32 $0xFFFFE003, lr  }
0x1b: {  	s9 =	sadd.s32 $0xFFFFFEF7, lr;
	s5 =	simm.s32 $0xFFFFFFFF;
	p2 =	slt.u32 s8, $0xFFFFF086  }
0x1c: {  	p1 =	slt.u32 s9, $0xF7A;
	s5 =	simm.s32 @!p2 $0x0  }
0x1d: {  	s5 =	simm.s32 @p1 $0x1;
	p0 =	seq.s32 s7, s2  }
0x1e: {  	s7 =	smul.u32 @!p0 $0xF7A, s2;
	p2 =	seq.s32 @!p0 s5, $0x0  }
0x1f: {  	s9 =	smul.u32 $0xF7A, s1;
	s8 =	simm.s32 @!p0 $0x1BF5;
	p2 =	por !p2, p0  }
0x20: {  	[sflag:s8] =	ssyncset.s32 @!p0 $0xFFFFF086;
	s6 =	sadd.s32 @!p0 s3, s7;
	s7 =	simm.s32 @!p0 $0x108  }
0x21: {  	s3 =	sadd.s32 s3, s9;
	s6 =	sadd.s32 @!p0 $0x88, s6;
	s7 =	simm.s32 @p2 $0x1082  }
0x22: {  	[simem:s7], [sflag:s8] =	dma.local @!p0 [hbm:s6], $0xF7A  }
0x23: {  	s9 =	sor.u32 $0xD0000000, s2;
	s6 =	simm.s32 $0x108;
	_ =	swait.ge @!p0 [sflag:s8], $0x0  }
0x24: {  	s3 =	sadd.s32 $0x88, s3;
	s6 =	simm.s32 @!p1 $0x1082;
	[sflag:s4] =	ssyncset.s32 $0xFFFFF086  }
0x25: {  	[simem:s6], [sflag:s4] =	dma.local [hbm:s3], $0xF7A  }
0x26: {  	[smem:$0x3F9D] =	sst s1;
	(tag) =	ssettag s2;
	_ =	strace s9  }
0x27: {  	s1 =	sld [smem:$0x3FAD]  }
0x28: {  	s2 =	sld [smem:$0x3FAE]  }
0x29: {  	s4 =	sld [smem:$0x3FB0]  }
0x2a: {  	p0 =	seq.s32 s5, $0x0;
	s5 =	sld [smem:$0x3FB1]  }
0x2b: {  	s6 =	sld [smem:$0x3FB2]  }
0x2c: {  	s7 =	sld [smem:$0x3FB3]  }
0x2d: {  	s3 =	simm.s32 $0x108;
	s8 =	sld [smem:$0x3FB4]  }
0x2e: {  	s3 =	simm.s32 @!p0 $0x1082;
	s9 =	sld [smem:$0x3FB5]  }
0x2f: {  	lr =	sadd.s32 s0, s3;
	s0 =	sld [smem:$0x3FAC]  }
0x30: {  	s3 =	sld [smem:$0x3FAF]  }
0x31: {  	[smem:$0x3FB8] =	sst s10  }
0x32: {  	s10 =	sld [smem:$0x3FB6];
	_ =	sdelay $0x3  }
0x33: {  	p0 =	seq.s32 s10, $0x1;
	s10 =	sld [smem:$0x3FB8];
	_ =	sdelay $0x3  }
0x34: {  	[smem:$0x3FB8] =	sst s10  }
0x35: {  	s10 =	sld [smem:$0x3FB7];
	_ =	sdelay $0x3  }
0x36: {  	p1 =	seq.s32 s10, $0x1;
	s10 =	sld [smem:$0x3FB8];
	_ =	sdelay $0x3  }
0x37: {  	[smem:$0x3FB8] =	sst s10  }
0x38: {  	s10 =	sld [smem:$0x3FB9]  }
0x39: {  	_ = 	snop;
	(pc) =	sbr.ind lr, $3  }
0x3a: {  	_ = 	snop  }
0x3b: {  	_ = 	snop  }
0x3c: {  	p2 =	seq.s32 s10, $0x1;
	s10 =	sld [smem:$0x3FB8]  }
0x3d: {  	_ =	shalt  }
0x3e: {  	_ =	shalt  }
0x3f: {  	_ =	shalt  }
0x40: {  	_ =	shalt  }
0x41: {  	_ =	shalt  }
0x42: {  	_ =	shalt  }
0x43: {  	_ =	shalt  }
0x44: {  	_ =	shalt  }
0x45: {  	_ =	shalt  }
0x46: {  	_ =	shalt  }
0x47: {  	_ =	shalt  }
0x48: {  	_ =	shalt  }
0x49: {  	_ =	shalt  }
0x4a: {  	_ =	shalt  }
0x4b: {  	_ =	shalt  }
0x4c: {  	_ =	shalt  }
0x4d: {  	_ =	shalt  }
0x4e: {  	_ =	shalt  }
0x4f: {  	_ =	shalt  }
0x50: {  	_ =	shalt  }
0x51: {  	_ =	shalt  }
0x52: {  	_ =	shalt  }
0x53: {  	_ =	shalt  }
0x54: {  	_ =	shalt  }
0x55: {  	_ =	shalt  }
0x56: {  	_ =	shalt  }
0x57: {  	_ =	shalt  }
0x58: {  	_ =	shalt  }
0x59: {  	_ =	shalt  }
0x5a: {  	_ =	shalt  }
0x5b: {  	_ =	shalt  }
0x5c: {  	_ =	shalt  }
0x5d: {  	_ =	shalt  }
0x5e: {  	_ =	shalt  }
0x5f: {  	_ =	shalt  }
0x60: {  	_ =	shalt  }
0x61: {  	_ =	shalt  }
0x62: {  	_ =	shalt  }
0x63: {  	_ =	shalt  }
0x64: {  	_ =	shalt  }
0x65: {  	_ =	shalt  }
0x66: {  	_ =	shalt  }
0x67: {  	_ =	shalt  }
0x68: {  	_ =	shalt  }
0x69: {  	_ =	shalt  }
0x6a: {  	_ =	shalt  }
0x6b: {  	_ =	shalt  }
0x6c: {  	_ =	shalt  }
0x6d: {  	_ =	shalt  }
0x6e: {  	_ =	shalt  }
0x6f: {  	_ =	shalt  }
0x70: {  	_ =	shalt  }
0x71: {  	_ =	shalt  }
0x72: {  	_ =	shalt  }
0x73: {  	_ =	shalt  }
0x74: {  	_ =	shalt  }
0x75: {  	_ =	shalt  }
0x76: {  	_ =	shalt  }
0x77: {  	_ =	shalt  }
0x78: {  	_ =	shalt  }
0x79: {  	_ =	shalt  }
0x7a: {  	_ =	shalt  }
0x7b: {  	_ =	shalt  }
0x7c: {  	_ =	shalt  }
0x7d: {  	_ =	shalt  }
0x7e: {  	_ =	shalt  }
0x7f: {  	_ =	shalt  }
0x80: {  	_ =	shalt  }
0x81: {  	_ =	shalt  }
0x82: {  	_ =	shalt  }
0x83: {  	_ =	shalt  }
0x84: {  	_ =	shalt  }
0x85: {  	_ =	shalt  }
0x86: {  	_ =	shalt  }
0x87: {  	_ =	shalt  }
.Lfunc_end0:
.L_simem_size_0:
called_computation_lowered:
.L_overlay_start_0:
0x88: {  	s2 =	sld [smem:$0x3FD9]  }
0x89: {  	s3 =	sld [smem:$0x3FFE];
	_ =	sdelay $0x1  }
0x8a: {  	s1 =	srdreg.scid  }
0x8b: {  	s0 =	sand.u32 $0x1, s1  }
0x8c: {  	s15 =	sshll.u32 s0, $0xA;
	s2 =	sadd.s32 s3, s2  }
0x8d: {  	s2 =	sadd.s32 s2, s15  }
0x8e: {  	[smem:$0x3FC4] =	sst s2  }
0x8f: {  	_ = 	snop  }
0x90: {  	s2 =	sld [smem:$0x3FC9]  }
0x91: {  	s16 =	sld [smem:$0x3FD0]  }
0x92: {  	s4 =	sld [smem:$0x3FC8]  }
0x93: {  	s5 =	sld [smem:$0x3FC7]  }
0x94: {  	s7 =	simm.s32 $0xA;
	s8 =	simm.s32 $0x10;
	s6 =	sld [smem:$0x3FC6]  }
0x95: {  	[smem:s8], [sflag:s7] =	dma.local [hbm:s16], $0x1  }
0x96: {  	_ =	swait.eq [sflag:s7], $0x1  }
0x97: {  	[sflag:s7] =	ssyncset.done $0x0  }
0x98: {  	s17 =	sld [smem:$0x10];
	[sflag:s7] =	ssyncadd.s32 $0xFFFFFFFF  }
0x99: {  	s18 =	sld [smem:$0x11];
	(tm) =	ssettm $0x1  }
0x9a: {  	s19 =	sld [smem:$0x3FFB];
	_ =	sdelay $0x3  }
0x9b: {  	_ =	strace s19  }
0x9c: {  	s8 =	sld [smem:$0x3FFC];
	_ =	sdelay $0x3  }
0x9d: {  	_ =	strace s8  }
0x9e: {  	s8 =	sld [smem:$0x3FFD];
	_ =	sdelay $0x3  }
0x9f: {  	_ =	strace s8  }
0xa0: {  	_ =	strace $0x8FFFFFFF  }
0xa1: {  	s20 =	sld [smem:$0x3FDB];
	_ =	sdelay $0x1  }
0xa2: {  	s9 =	simm.s32 $_scs_section_size  }
0xa3: {  	s10 =	simm.s32 $_size__tile_overlayer_lowered;
	s11 =	simm.s32 $_tile_overlayer_lowered  }
0xa4: {  	s23 =	simm.s32 $0x1BFF;
	s22 =	sshll.u32 s11, $0x1;
	s8 =	sadd.s32 s9, s20  }
0xa5: {  	s12 =	simm.s32 $0x0;
	s21 =	sshll.u32 s10, $0x1;
	s10 =	sadd.s32 s22, s8  }
0xa6: {  	[timem:s12], [sflag:s23] =	dma.local [hbm:s10], s21  }
0xa7: {  	_ =	swait.ge [sflag:s23], s21  }
0xa8: {  	s9 =	ssub.s32 $0x0, s21;
	[sflag:s23] =	ssyncset.done $0x0  }
0xa9: {  	[sflag:s23] =	ssyncadd.s32 s9;
	_ =	sdelay $0x1  }
0xaa: {  	s24 =	simm.s32 $0x1B8B  }
0xab: {  	_ =	swait.ge [sflag:s24], $0x1  }
0xac: {  	[sflag:s24] =	ssyncset.done $0x0  }
0xad: {  	s25 =	simm.s32 $0x1B8E;
	[sflag:s24] =	ssyncadd.s32 $0xFFFFFFFF  }
0xae: {  	s26 =	simm.s32 $execute0_lowered;
	[smem:$0x3FD2] =	sst s25  }
0xaf: {  	s9 =	sshll.u32 s26, $0x1;
	_ =	strace $0x80000046;
	[dreg:$0x1] =	wrdreg $0xFFFFFFFF  }
0xb0: {  	s28 =	simm.s32 $_size_execute0_lowered;
	s8 =	sadd.s32 s8, s9;
	[dreg:$0x0] =	wrdreg $0x0  }
0xb1: {  	s9 =	sshll.u32 s28, $0x1;
	[dreg:$0x2] =	wrdreg s8  }
0xb2: {  	[dreg:$0x3] =	wrdreg s9  }
0xb3: {  	[dreg:$0x4] =	wrdreg $0xC0  }
0xb4: {  	_ =	task [dreg:s12], $0x5FFFF  }
0xb5: {  	[dreg:$0x1] =	wrdreg $0xFFFFFFFF  }
0xb6: {  	[dreg:$0x0] =	wrdreg $0x60  }
0xb7: {  	[dreg:$0x2] =	wrdreg s2  }
0xb8: {  	[dreg:$0x3] =	wrdreg s4  }
0xb9: {  	[dreg:$0x4] =	wrdreg s5  }
0xba: {  	[dreg:$0x5] =	wrdreg s6  }
0xbb: {  	[dreg:$0x6] =	wrdreg s17  }
0xbc: {  	[dreg:$0x7] =	wrdreg s18  }
0xbd: {  	[dreg:$0x8] =	wrdreg $0x0  }
0xbe: {  	[dreg:$0x9] =	wrdreg $0x9  }
0xbf: {  	_ =	task.clear_ibuf [dreg:s12], $0xAFFFF;
	_ =	strace $0x90000046  }
0xc0: {  	s29 =	simm.s32 $0x9;
	_ =	strace $0x80000048  }
0xc1: {  	_ =	swait.ge [sflag:s29], $0x1  }
0xc2: {  	[sflag:s29] =	ssyncadd.s32 $0xFFFFFFFF  }
0xc3: {  	_ =	strace $0x90000048  }
0xc4: {  	_ =	sfence  }
0xc5: {  	s30 =	sld [smem:$0x0];
	_ =	sdelay $0x2  }
0xc6: {  	s31 =	sshll.u32 s1, $0xD;
	s1 =	sshrl.u32 s1, $0x2  }
0xc7: {  	s3 =	sand.u32 $0x4000, s31;
	s1 =	sadd.s32 s1, s30  }
0xc8: {  	s0 =	sor.u32 s3, s0;
	s1 =	sshll.u32 s1, $0x11  }
0xc9: {  	s0 =	sor.u32 s1, s0  }
0xca: {  	s0 =	sadd.s32 $0x8F2B, s0  }
0xcb: {  	[sflag:s0] =	ssyncadd.remote.s32 $0x1  }
0xcc: {  	_ =	sfence.sel $0xFFFF  }
0xcd: {  	[dreg:$0x0] =	wrdreg $0xFFFFFFFF;
	(pc) =	sbr.abs _section_cstart, $3  }
0xce: {  	[dreg:$0x1] =	wrdreg $0xFFFFFFFF  }
0xcf: {  	_ =	task.clear_ibuf [dreg:s12], $0x2FFFF;
	_ =	strace $0x9FFFFFFF  }
0xd0: {  	(tm) =	ssettm $0x7FFFFFFF  }
0xd1: {  	_ =	shalt  }
tec
execute0_lowered:
.L_overlay_start_1:
0x0: {  	(tag) =	ssettag $0x1  }
0x1: {  	s20 =	rddreg [dreg:$0x1]  }
0x2: {  	s17 =	rddreg [dreg:$0x2]  }
0x3: {  	s15 =	rddreg [dreg:$0x3]  }
0x4: {  	s0 =	srdreg.scid;
	s7 =	rddreg [dreg:$0x6];
	s21 =	simm.s32 $0x0  }
0x5: {  	s1 =	stileid.u32;
	[smem:$0x7FF] =	sst s21;
	s6 =	sadd.s32 $0x100000, s7  }
0x6: {  	s22 =	sshll.u32 s1, $0x10;
	_ =	strace $0x80000047;
	[dreg:$0xe] =	wrdreg s6  }
0x7: {  	s8 =	smul.u32 $0x3D090, s1;
	s5 =	sadd.s32 s22, s7;
	[dreg:$0xc] =	wrdreg s22  }
0x8: {  	s0 =	sand.u32 $0x1, s0;
	[dreg:$0xd] =	wrdreg s5  }
0x9: {  	s23 =	sshll.u32 s0, $0x14;
	[dreg:$0x8] =	wrdreg s8  }
0xa: {  	s10 =	sadd.s32 $0x1000, s5;
	[dreg:$0xf] =	wrdreg s23  }
0xb: {  	s11 =	sadd.s32 $0x2000, s5;
	[dreg:$0x11] =	wrdreg s10  }
0xc: {  	s12 =	sadd.s32 $0x3000, s5;
	[dreg:$0x12] =	wrdreg s11  }
0xd: {  	s13 =	sadd.s32 $0x4000, s5;
	[dreg:$0x13] =	wrdreg s12  }
0xe: {  	s14 =	sadd.s32 $0x5000, s5;
	[dreg:$0x14] =	wrdreg s13  }
0xf: {  	s16 =	sadd.s32 $0x6000, s5;
	[dreg:$0x15] =	wrdreg s14  }
0x10: {  	s18 =	sadd.s32 $0x7000, s5;
	[dreg:$0x16] =	wrdreg s16  }
0x11: {  	s19 =	sadd.s32 $0x8000, s5;
	[dreg:$0x17] =	wrdreg s18  }
0x12: {  	s24 =	sadd.s32 $0x9000, s5;
	[dreg:$0x18] =	wrdreg s19  }
0x13: {  	s25 =	sadd.s32 $0xA000, s5;
	[dreg:$0x19] =	wrdreg s24  }
0x14: {  	s26 =	sadd.s32 $0xB000, s5;
	[dreg:$0x1a] =	wrdreg s25  }
0x15: {  	s28 =	sadd.s32 $0xC000, s5;
	[dreg:$0x1b] =	wrdreg s26  }
0x16: {  	s4 =	sshrl.u32 s8, $0x3;
	s29 =	sadd.s32 $0xD000, s5;
	[dreg:$0x1c] =	wrdreg s28  }
0x17: {  	s2 =	ssub.s32 $0x2, s0;
	s30 =	sadd.s32 s20, s4;
	[dreg:$0x1d] =	wrdreg s29  }
0x18: {  	s3 =	sshrl.u32 s2, $0x1;
	s31 =	sadd.s32 s17, s4;
	[dreg:$0x9] =	wrdreg s30  }
0x19: {  	s2 =	ssub.s32 s2, s3;
	s4 =	sadd.s32 s15, s4;
	[dreg:$0xa] =	wrdreg s31  }
0x1a: {  	p0 =	sne.s32 s1, $0x0;
	[dreg:$0xb] =	wrdreg s4;
	s9 =	smax.u32 s2, $0x1  }
0x1b: {  	s1 =	simm.s32 $0x0;
	v0 =	vmov s23;
	s30 =	sadd.s32 $0xE000, s5;
	[dreg:$0x10] =	wrdreg s9  }
0x1c: {  	v1 =	vimm.f32 $0.0e+00;
	v0 =	vsub.s32 $0x0, v0;
	s12 =	simm.s32 $0x3;
	s31 =	sadd.s32 $0xF000, s5;
	[dreg:$0x1e] =	wrdreg s30  }
0x1d: {  	v2 =	vimm.f32 $1.000000000e+00;
	v3 =	vimm.s32 $0x100000;
	s18 =	simm.s32 $0x400;
	s19 =	simm.s32 $0x1A390;
	v0 =	vbroadcast v0, $0x0;
	[dreg:$0x1f] =	wrdreg s31  }
.LBB2_1:
0x1e: {  	[smem:$0x7FD] =	sst s1;
	s0 =	simm.s32 $0x0  }
.LBB2_2:
0x1f: {  	p1 =	sne.s32 s0, $0x3FC0  }
.Ltmp0:
0x20: {  	_ = 	snop;
	(pc) =	sbr.rel @p1 .LBB2_2-.Ltmp0, $3  }
0x21: {  	_ =	sdelay $0x1  }
0x22: {  	s1 =	sshra.s32 s0, $0x2  }
0x23: {  	s0 =	sadd.s32 $0x40, s0;
	[tilespmem:s1+$0x1A790] =	vst v1  }
0x24: {  	s0 =	simm.s32 $0x40;
	s1 =	simm.s32 $0x0  }
.LBB2_4:
0x25: {  	p1 =	sne.s32 s0, $0xFC0;
	[tilespmem:s1+$0x1A390] =	vst v2;
	s1 =	smov.u32 s0;
	s0 =	sadd.s32 $0x40, s0  }
.Ltmp1:
0x26: {  	(pc) =	sbr.rel @p1 .LBB2_4-.Ltmp1, $2  }
0x27: {  	_ =	sdelay $0x2  }
0x28: {  	s1 =	sshra.s32 s1, $0x2  }
0x29: {  	[tilespmem:s1+$0x1A390] =	vst v2;
	s0 =	rddreg [dreg:$0x9];
	s22 =	simm.s32 $0x10010  }
0x2a: {  	[tilespmem:s22], [sflag:$0x1] =	stream.linear.gather [hbm4b:s0+s21], $0x7D0, $0x38;
	[tilespmem:$0x1E790] =	vst v63  }
0x2b: {  	s23 =	rddreg [dreg:$0xa];
	s24 =	simm.s32 $0x12810  }
0x2c: {  	[tilespmem:s24], [sflag:$0x1] =	stream.linear.gather [hbm4b:s23+s21], $0x7D0, $0x38;
	[tilespmem:$0x1E790] =	vst v63  }
0x2d: {  	s25 =	rddreg [dreg:$0xb];
	s26 =	simm.s32 $0x15010  }
0x2e: {  	[tilespmem:s26], [sflag:$0x1] =	stream.linear.gather [hbm4b:s25+s21], $0x7D0, $0x38;
	[tilespmem:$0x1E790] =	vst v63  }
0x2f: {  	s2 =	rddreg [dreg:$0xd];
	s3 =	simm.s32 $0x1A790  }
0x30: {  	[spmem:s2] =	stream.linear.scatter [tilespmem:s3], [sflag:$0x3], $0x1000, $0x38;
	[tilespmem:$0x1E790] =	vst v63  }
0x31: {  	_ =	swait.ge [sflag:s12], $0x1000  }
0x32: {  	[sflag:s12] =	ssyncset.done $0x0  }
0x33: {  	s4 =	rddreg [dreg:$0x11];
	[sflag:s12] =	ssyncadd.s32 $0xFFFFF000  }
0x34: {  	[spmem:s4] =	stream.linear.scatter [tilespmem:s3], [sflag:$0x3], $0x1000, $0x38;
	[tilespmem:$0x1E790] =	vst v63  }
0x35: {  	_ =	swait.ge [sflag:s12], $0x1000  }
0x36: {  	[sflag:s12] =	ssyncset.done $0x0  }
0x37: {  	s5 =	rddreg [dreg:$0x12];
	[sflag:s12] =	ssyncadd.s32 $0xFFFFF000  }
0x38: {  	[spmem:s5] =	stream.linear.scatter [tilespmem:s3], [sflag:$0x3], $0x1000, $0x38;
	[tilespmem:$0x1E790] =	vst v63  }
0x39: {  	_ =	swait.ge [sflag:s12], $0x1000  }
0x3a: {  	[sflag:s12] =	ssyncset.done $0x0  }
0x3b: {  	s6 =	rddreg [dreg:$0x13];
	[sflag:s12] =	ssyncadd.s32 $0xFFFFF000  }
0x3c: {  	[spmem:s6] =	stream.linear.scatter [tilespmem:s3], [sflag:$0x3], $0x1000, $0x38;
	[tilespmem:$0x1E790] =	vst v63  }
0x3d: {  	_ =	swait.ge [sflag:s12], $0x1000  }
0x3e: {  	[sflag:s12] =	ssyncset.done $0x0  }
0x3f: {  	s9 =	rddreg [dreg:$0x14];
	[sflag:s12] =	ssyncadd.s32 $0xFFFFF000  }
0x40: {  	[spmem:s9] =	stream.linear.scatter [tilespmem:s3], [sflag:$0x3], $0x1000, $0x38;
	[tilespmem:$0x1E790] =	vst v63  }
0x41: {  	_ =	swait.ge [sflag:s12], $0x1000  }
0x42: {  	[sflag:s12] =	ssyncset.done $0x0  }
0x43: {  	s10 =	rddreg [dreg:$0x15];
	[sflag:s12] =	ssyncadd.s32 $0xFFFFF000  }
0x44: {  	[spmem:s10] =	stream.linear.scatter [tilespmem:s3], [sflag:$0x3], $0x1000, $0x38;
	[tilespmem:$0x1E790] =	vst v63  }
0x45: {  	_ =	swait.ge [sflag:s12], $0x1000  }
0x46: {  	[sflag:s12] =	ssyncset.done $0x0  }
0x47: {  	s11 =	rddreg [dreg:$0x16];
	[sflag:s12] =	ssyncadd.s32 $0xFFFFF000  }
0x48: {  	[spmem:s11] =	stream.linear.scatter [tilespmem:s3], [sflag:$0x3], $0x1000, $0x38;
	[tilespmem:$0x1E790] =	vst v63  }
0x49: {  	_ =	swait.ge [sflag:s12], $0x1000  }
0x4a: {  	[sflag:s12] =	ssyncset.done $0x0  }
0x4b: {  	s13 =	rddreg [dreg:$0x17];
	[sflag:s12] =	ssyncadd.s32 $0xFFFFF000  }
0x4c: {  	[spmem:s13] =	stream.linear.scatter [tilespmem:s3], [sflag:$0x3], $0x1000, $0x38;
	[tilespmem:$0x1E790] =	vst v63  }
0x4d: {  	_ =	swait.ge [sflag:s12], $0x1000  }
0x4e: {  	[sflag:s12] =	ssyncset.done $0x0  }
0x4f: {  	s14 =	rddreg [dreg:$0x18];
	[sflag:s12] =	ssyncadd.s32 $0xFFFFF000  }
0x50: {  	[spmem:s14] =	stream.linear.scatter [tilespmem:s3], [sflag:$0x3], $0x1000, $0x38;
	[tilespmem:$0x1E790] =	vst v63  }
0x51: {  	_ =	swait.ge [sflag:s12], $0x1000  }
0x52: {  	[sflag:s12] =	ssyncset.done $0x0  }
0x53: {  	s16 =	rddreg [dreg:$0x19];
	[sflag:s12] =	ssyncadd.s32 $0xFFFFF000  }
0x54: {  	[spmem:s16] =	stream.linear.scatter [tilespmem:s3], [sflag:$0x3], $0x1000, $0x38;
	[tilespmem:$0x1E790] =	vst v63  }
0x55: {  	_ =	swait.ge [sflag:s12], $0x1000  }
0x56: {  	[sflag:s12] =	ssyncset.done $0x0  }
0x57: {  	s21 =	rddreg [dreg:$0x1a];
	[sflag:s12] =	ssyncadd.s32 $0xFFFFF000  }
0x58: {  	[spmem:s21] =	stream.linear.scatter [tilespmem:s3], [sflag:$0x3], $0x1000, $0x38;
	[tilespmem:$0x1E790] =	vst v63  }
0x59: {  	_ =	swait.ge [sflag:s12], $0x1000  }
0x5a: {  	[sflag:s12] =	ssyncset.done $0x0  }
0x5b: {  	s22 =	rddreg [dreg:$0x1b];
	[sflag:s12] =	ssyncadd.s32 $0xFFFFF000  }
0x5c: {  	[spmem:s22] =	stream.linear.scatter [tilespmem:s3], [sflag:$0x3], $0x1000, $0x38;
	[tilespmem:$0x1E790] =	vst v63  }
0x5d: {  	_ =	swait.ge [sflag:s12], $0x1000  }
0x5e: {  	[sflag:s12] =	ssyncset.done $0x0  }
0x5f: {  	s23 =	rddreg [dreg:$0x1c];
	[sflag:s12] =	ssyncadd.s32 $0xFFFFF000  }
0x60: {  	[spmem:s23] =	stream.linear.scatter [tilespmem:s3], [sflag:$0x3], $0x1000, $0x38;
	[tilespmem:$0x1E790] =	vst v63  }
0x61: {  	_ =	swait.ge [sflag:s12], $0x1000  }
0x62: {  	[sflag:s12] =	ssyncset.done $0x0  }
0x63: {  	s24 =	rddreg [dreg:$0x1d];
	[sflag:s12] =	ssyncadd.s32 $0xFFFFF000  }
0x64: {  	[spmem:s24] =	stream.linear.scatter [tilespmem:s3], [sflag:$0x3], $0x1000, $0x38;
	[tilespmem:$0x1E790] =	vst v63  }
0x65: {  	_ =	swait.ge [sflag:s12], $0x1000  }
0x66: {  	[sflag:s12] =	ssyncset.done $0x0  }
0x67: {  	s25 =	rddreg [dreg:$0x1e];
	[sflag:s12] =	ssyncadd.s32 $0xFFFFF000  }
0x68: {  	[spmem:s25] =	stream.linear.scatter [tilespmem:s3], [sflag:$0x3], $0x1000, $0x38;
	[tilespmem:$0x1E790] =	vst v63  }
0x69: {  	_ =	swait.ge [sflag:s12], $0x1000  }
0x6a: {  	[sflag:s12] =	ssyncset.done $0x0  }
0x6b: {  	s26 =	rddreg [dreg:$0x1f];
	[sflag:s12] =	ssyncadd.s32 $0xFFFFF000  }
0x6c: {  	[spmem:s26] =	stream.linear.scatter [tilespmem:s3], [sflag:$0x3], $0x1000, $0x38;
	[tilespmem:$0x1E790] =	vst v63  }
0x6d: {  	_ =	swait.ge [sflag:s12], $0x1000  }
0x6e: {  	[sflag:s12] =	ssyncset.done $0x0  }
0x6f: {  	s0 =	simm.s32 @!p0 $0x1A790;
	s1 =	rddreg [dreg:$0xe];
	[sflag:s12] =	ssyncadd.s32 $0xFFFFF000  }
0x70: {  	[spmem:s1] =	stream.linear.scatter @!p0 [tilespmem:s0], [sflag:$0x3], $0x100, $0x38;
	[tilespmem:$0x1E790] =	vst v63  }
0x71: {  	s28 =	simm.s32 $0x12810;
	s29 =	simm.s32 $0x15010;
	s0 =	simm.s32 @!p0 $0x3  }
.Ltmp2:
0x72: {  	s30 =	simm.s32 $0x107E0;
	_ =	swait.ge @!p0 [sflag:s0], $0x100;
	(pc) =	sbr.rel .LBB2_6-.Ltmp2, $4  }
0x73: {  	s31 =	simm.s32 $0x1;
	s6 =	simm.s32 $0x12FE0;
	[sflag:s0] =	ssyncset.done @!p0 $0x0  }
0x74: {  	s10 =	simm.s32 $0x157E0;
	s11 =	simm.s32 $0x0;
	[sflag:s0] =	ssyncadd.s32 @!p0 $0xFFFFFF00  }
0x75: {  	s14 =	simm.s32 $0x0;
	s23 =	simm.s32 $0x0;
	[bflag:$0x0] =	sbarrier.arrive $0xFFFF  }
0x76: {  	s24 =	simm.s32 $0x0;
	s25 =	simm.s32 $0x10010;
	s26 =	simm.s32 $0x0  }
.LBB2_59:
0x77: {  	s11 =	smov.u32 @p1 s1  }
.LBB2_33:
0x78: {  	p1 =	sgt.s32 s0, $0x2B10;
	s23 =	sadd.s32 $0x1, s23  }
0x79: {  	s24 =	simm.s32 @p1 $0x0;
	p1 =	sne.s32 s23, $0x3E  }
.Ltmp3:
0x7a: {  	_ = 	snop;
	(pc) =	sbr.rel @!p1 .LBB2_34-.Ltmp3, $4  }
0x7b: {  	_ = 	snop  }
0x7c: {  	s25 =	sadd.s32 $0xFA0, s25;
	s14 =	sadd.s32 $0x2, s14  }
0x7d: {  	s28 =	sadd.s32 $0xFA0, s28;
	s29 =	sadd.s32 $0xFA0, s29;
	s30 =	sadd.s32 $0xFA0, s30  }
0x7e: {  	s31 =	sadd.s32 $0x2, s31;
	s6 =	sadd.s32 $0xFA0, s6;
	s10 =	sadd.s32 $0xFA0, s10  }
.LBB2_6:
0x7f: {  	s1 =	sshllo.u32 s23, $0x1  }
0x80: {  	s2 =	smul.u32 $0xCD, s1;
	_ =	sdelay $0x1  }
0x81: {  	s2 =	sshrl.u32 s2, $0xA  }
0x82: {  	s4 =	smulhi.u32 $0xCCCCCCCD, s14;
	s2 =	sand.u32 $0x3F, s2  }
0x83: {  	s2 =	smul.u32 $0x5, s2  }
0x84: {  	s5 =	simm.s32 $0x1  }
0x85: {  	s4 =	sshrl.u32 s4, $0x2;
	s2 =	ssub.s32 s1, s2;
	s1 =	smul.u32 $0x7D0, s1  }
0x86: {  	_ =	swait.ge [sflag:s5], $0x1770;
	s4 =	smul.u32 $0xFFFF63C0, s4;
	s2 =	sand.u32 $0xFF, s2  }
0x87: {  	[sflag:s5] =	ssyncset.done $0x0;
	s2 =	smul.u32 $0x7D0, s2;
	s1 =	sadd.s32 s8, s1  }
0x88: {  	[sflag:s5] =	ssyncadd.s32 $0xFFFFE890;
	s4 =	sshra.s32 s4, $0x2;
	s1 =	sshrl.u32 s1, $0x3  }
0x89: {  	s9 =	sadd.s32 s4, s25;
	s16 =	sadd.s32 $0x10010, s2;
	s13 =	sadd.s32 s20, s1  }
0x8a: {  	[tilespmem:s16], [sflag:$0x2] =	stream.linear.gather [hbm4b:s13+s26], $0x7D0, $0x38;
	[tilespmem:$0x1E790] =	vst v63  }
0x8b: {  	v4 =	vmov s9;
	s13 =	sadd.s32 s4, s28  }
0x8c: {  	s21 =	sadd.s32 $0x12810, s2;
	s22 =	sadd.s32 s17, s1;
	s16 =	sadd.s32 s4, s29;
	v5 =	vmov s13  }
0x8d: {  	[tilespmem:s21], [sflag:$0x2] =	stream.linear.gather [hbm4b:s22+s26], $0x7D0, $0x38;
	[tilespmem:$0x1E790] =	vst v63  }
0x8e: {  	s2 =	sadd.s32 $0x15010, s2;
	s1 =	sadd.s32 s15, s1;
	v6 =	vmov s16;
	s22 =	simm.s32 $0x0  }
0x8f: {  	[tilespmem:s2], [sflag:$0x2] =	stream.linear.gather [hbm4b:s1+s26], $0x7D0, $0x38;
	[tilespmem:$0x1E790] =	vst v63  }
0x90: {  	v7 =	vld.idx.msk [tilespmem:v4+s22+$0x0 ss:$0x1], $0xffff  }
0x91: {  	v8 =	vld.idx.msk [tilespmem:v5+s22+$0x0 ss:$0x1], $0xffff;
	_ =	sdelay $0x1  }
0x92: {  	v9 =	vld.idx.msk [tilespmem:v6+s22+$0x0 ss:$0x1], $0xffff;
	_ =	sdelay $0x1  }
0x93: {  	v7 =	vtrunc.f32 v7  }
0x94: {  	v7 =	vcvt.f32.s32 v7;
	v8 =	vtrunc.f32 v8  }
0x95: {  	v8 =	vcvt.f32.s32 v8  }
0x96: {  	s0 =	smulhi.u32 $0xCCCCCCCD, s31;
	v9 =	vtrunc.f32 v9;
	v7 =	vshll.u32 v7, $0xE  }
0x97: {  	v9 =	vcvt.f32.s32 v9;
	v8 =	vshll.u32 v8, $0x7;
	v7 =	vadd.s32 v0, v7  }
0x98: {  	s0 =	sshrl.u32 s0, $0x2;
	v7 =	vadd.s32 v8, v7  }
0x99: {  	s0 =	smul.u32 $0xFFFF63C0, s0;
	v7 =	vadd.s32 v9, v7  }
0x9a: {  	vm0 =	vlt.u32 v7, $0x100000  }
0x9b: {  	s3 =	sshra.s32 s0, $0x2;
	v8 =	vmpcnt.ones.xlane vm0  }
0x9c: {  	s0 =	sadd.s32 s3, s30;
	s5 =	sadd.s32 s3, s10;
	s4 =	sadd.s32 s3, s6  }
0x9d: {  	s21 =	sshll.u32 s23, $0x1;
	s2 =	simm.s32 $0x10;
	s1 =	simm.s32 $0x80;
	[tilespmem:s11+$0x17810] =	vst.msk vm0, v7;
	(v2sf) =	vpush v8, $0x0  }
.LBB2_7:
0x9e: {  	p1 =	seq.s32 s1, $0x1F00;
	v7 =	vld.idx.msk [tilespmem:v4+s2+$0x0 ss:$0x1], $0xffff  }
0x9f: {  	v8 =	vld.idx.msk [tilespmem:v5+s2+$0x0 ss:$0x1], $0xffff;
	_ =	sdelay $0x1  }
0xa0: {  	v9 =	vld.idx.msk [tilespmem:v6+s2+$0x0 ss:$0x1], $0xffff;
	_ =	sdelay $0x2  }
0xa1: {  	v7 =	vtrunc.f32 v7  }
0xa2: {  	v7 =	vcvt.f32.s32 v7;
	v8 =	vtrunc.f32 v8  }
0xa3: {  	v8 =	vcvt.f32.s32 v8  }
0xa4: {  	v9 =	vtrunc.f32 v9;
	v7 =	vshll.u32 v7, $0xE  }
0xa5: {  	v9 =	vcvt.f32.s32 v9;
	v8 =	vshll.u32 v8, $0x7;
	v7 =	vadd.s32 v0, v7  }
0xa6: {  	v7 =	vadd.s32 v8, v7  }
.Ltmp4:
0xa7: {  	v7 =	vadd.s32 v9, v7;
	(pc) =	sbr.rel @!p1 .LBB2_7-.Ltmp4, $4  }
0xa8: {  	vm0 =	vlt.u32 v7, $0x100000  }
0xa9: {  	v8 =	vmpcnt.ones.xlane vm0;
	s2 =	spop (v2sf)  }
0xaa: {  	s11 =	sadd.s32 s11, s2  }
0xab: {  	s2 =	sshra.s32 s1, $0x2;
	s1 =	sadd.s32 $0x40, s1;
	[tilespmem:s11+$0x17810] =	vst.msk vm0, v7;
	(v2sf) =	vpush v8, $0x0  }
0xac: {  	_ =	sdelay $0x3  }
0xad: {  	v4 =	vld.idx.msk [tilespmem:v4+s2+$0x0 ss:$0x1], $0xffff  }
0xae: {  	v5 =	vld.idx.msk [tilespmem:v5+s2+$0x0 ss:$0x1], $0xffff;
	_ =	sdelay $0x1  }
0xaf: {  	v6 =	vld.idx.msk [tilespmem:v6+s2+$0x0 ss:$0x1], $0xffff;
	_ =	sdelay $0x1  }
0xb0: {  	v4 =	vtrunc.f32 v4  }
0xb1: {  	v5 =	vtrunc.f32 v5;
	v4 =	vcvt.f32.s32 v4  }
0xb2: {  	v5 =	vcvt.f32.s32 v5  }
0xb3: {  	v6 =	vtrunc.f32 v6;
	v4 =	vshll.u32 v4, $0xE  }
0xb4: {  	v6 =	vcvt.f32.s32 v6;
	v5 =	vshll.u32 v5, $0x7;
	v4 =	vadd.s32 v0, v4  }
0xb5: {  	v4 =	vadd.s32 v5, v4  }
0xb6: {  	v4 =	vadd.s32 v6, v4  }
0xb7: {  	vm0 =	vlt.u32 v4, $0x100000  }
0xb8: {  	v5 =	vmpcnt.ones.xlane vm0;
	_ =	sdelay $0x1  }
0xb9: {  	(v2sf) =	vpush v5, $0x0;
	_ =	sdelay $0xd  }
0xba: {  	s1 =	spop (v2sf)  }
0xbb: {  	s22 =	sshll.u32 s24, $0xA;
	s1 =	sadd.s32 s11, s1;
	s16 =	spop (v2sf)  }
0xbc: {  	s2 =	sadd.s32 $0x400, s22;
	[tilespmem:s1+$0x17810] =	vst.msk vm0, v4;
	s1 =	sadd.s32 s1, s16  }
0xbd: {  	p1 =	sgt.s32 s2, s1  }
.Ltmp5:
0xbe: {  	_ = 	snop;
	(pc) =	sbr.rel @p1 .LBB2_12-.Ltmp5, $1  }
0xbf: {  	_ =	sdelay $0x3  }
0xc0: {  	s2 =	sadd.s32 $0x400, s2  }
0xc1: {  	s3 =	sshll.u32 s24, $0xC;
	p1 =	sle.s32 s2, s1  }
.Ltmp6:
0xc2: {  	s3 =	sshra.s32 s3, $0x2;
	(pc) =	sbr.rel @!p1 .LBB2_11-.Ltmp6, $4  }
0xc3: {  	s3 =	sadd.s32 $0x17810, s3  }
0xc4: {  	[spmem:s7] =	stream.indirect.scatter.add.f32 [tilespmem:s19], [sflag:$0x3], $0x1, s3, s18, $0xb8;
	[tilespmem:$0x1E790] =	vst v63  }
0xc5: {  	_ =	swait.ge [sflag:s12], $0x400  }
0xc6: {  	s3 =	sadd.s32 $0x400, s3;
	[sflag:s12] =	ssyncset.done $0x0  }
.LBB2_10:
0xc7: {  	s2 =	sadd.s32 $0x400, s2  }
0xc8: {  	[sflag:s12] =	ssyncadd.s32 $0xFFFFFC00;
	s24 =	sadd.s32 $0x1, s24;
	p1 =	sle.s32 s2, s1  }
.Ltmp7:
0xc9: {  	(pc) =	sbr.rel @p1 .LBB2_10-.Ltmp7, $4  }
0xca: {  	_ = 	snop  }
0xcb: {  	[spmem:s7] =	stream.indirect.scatter.add.f32 [tilespmem:s19], [sflag:$0x3], $0x1, s3, s18, $0xb8;
	[tilespmem:$0x1E790] =	vst v63  }
0xcc: {  	_ =	swait.ge [sflag:s12], $0x400  }
0xcd: {  	s3 =	sadd.s32 $0x400, s3;
	[sflag:s12] =	ssyncset.done $0x0  }
.LBB2_11:
0xce: {  	[sflag:s12] =	ssyncadd.s32 $0xFFFFFC00;
	s24 =	sadd.s32 $0x1, s24  }
.LBB2_12:
0xcf: {  	s22 =	sadd.s32 $0x7E0, s1  }
0xd0: {  	p1 =	slt.s32 s22, $0x2B11  }
0xd1: {  	s2 =	sshll.u32 @!p1 s24, $0xA  }
0xd2: {  	s11 =	ssub.s32 @!p1 s1, s2  }
0xd3: {  	s3 =	sadd.s32 @!p1 $0xF, s11  }
0xd4: {  	s13 =	sand.u32 @!p1 $0xF, s3  }
0xd5: {  	p2 =	slt.s32 @!p1 s3, $0x1;
	p3 =	sne.s32 @!p1 s13, $0x0  }
0xd6: {  	s13 =	sshra.s32 @!p1 s3, $0x1F;
	p2 =	por @!p1 !p2, !p3  }
0xd7: {  	s13 =	sshrl.u32 @!p1 s13, $0x1C;
	p2 =	por @!p1 !p2, !p2  }
0xd8: {  	s3 =	sadd.s32 @!p1 s13, s3;
	s13 =	simm.s32 @!p1 $0x1;
	p2 =	por !p2, p1  }
0xd9: {  	s3 =	sshra.s32 @!p1 s3, $0x4;
	s13 =	simm.s32 @p2 $0x0  }
0xda: {  	s13 =	ssub.s32 @!p1 s3, s13  }
0xdb: {  	p2 =	slt.s32 @!p1 s13, $0x1  }
0xdc: {  	p2 =	por p1, p2  }
.Ltmp8:
0xdd: {  	_ = 	snop;
	(pc) =	sbr.rel @p2 .LBB2_58-.Ltmp8, $1  }
0xde: {  	_ =	sdelay $0x3  }
0xdf: {  	p2 =	sne.s32 s13, $0x1  }
.Ltmp9:
0xe0: {  	_ = 	snop;
	(pc) =	sbr.rel @!p2 .LBB2_14-.Ltmp9, $4  }
0xe1: {  	s1 =	simm.s32 @!p1 $0x0;
	s16 =	sadd.s32 $0x0, s2  }
0xe2: {  	s16 =	sand.u32 $0xFFFFFF80, s16;
	s1 =	sand.u32 $0x70, s1  }
0xe3: {  	s3 =	simm.s32 @!p1 $0x17810;
	s16 =	sor.u32 s1, s16  }
0xe4: {  	p1 =	por $0x0, $0x0;
	s1 =	sadd.s32 $0xFFFFFFFF, s13;
	s13 =	simm.s32 $0x10;
	v4 =	vld [tilespmem:s16+$0x17810]  }
0xe5: {  	_ = 	snop  }
0xe6: {  	p2 =	sne.s32 s1, $0x1  }
.Ltmp10:
0xe7: {  	s16 =	sadd.s32 $0x10, s2;
	(pc) =	sbr.rel @!p2 .LBB2_16-.Ltmp10, $4  }
0xe8: {  	s13 =	sand.u32 $0x70, s13;
	s16 =	sand.u32 $0xFFFFFF80, s16  }
0xe9: {  	s8 =	smov.u32 s15;
	s16 =	sor.u32 s13, s16;
	[tilespmem:s3+$0x0] =	vst v4  }
0xea: {  	s15 =	smov.u32 s17;
	s17 =	smov.u32 s20;
	p1 =	por $0x1, $0x1;
	v4 =	vld [tilespmem:s16+$0x17810]  }
0xeb: {  	s13 =	sadd.s32 $0xFFFFFFFF, s1;
	s1 =	smov.u32 s3;
	s16 =	simm.s32 $0x20  }
.LBB2_17:
0xec: {  	s20 =	sadd.s32 s16, s2  }
0xed: {  	p2 =	sne.s32 s13, $0x1;
	s13 =	sadd.s32 $0xFFFFFFFF, s13;
	s9 =	sand.u32 $0x70, s16  }
.Ltmp11:
0xee: {  	s1 =	sadd.s32 $0x10, s1;
	s20 =	sand.u32 $0xFFFFFF80, s20;
	(pc) =	sbr.rel @p2 .LBB2_17-.Ltmp11, $3  }
0xef: {  	s9 =	sor.u32 s9, s20;
	[tilespmem:s1+$0x0] =	vst v4  }
0xf0: {  	v4 =	vld [tilespmem:s9+$0x17810];
	_ =	sdelay $0x1  }
0xf1: {  	s16 =	sadd.s32 $0x10, s16  }
0xf2: {  	s20 =	smov.u32 s17  }
0xf3: {  	s17 =	smov.u32 s15;
	s15 =	smov.u32 s8;
	s8 =	rddreg [dreg:$0x8]  }
.LBB2_19:
.Ltmp12:
0xf4: {  	(pc) =	sbr.rel .LBB2_20-.Ltmp12, $4  }
0xf5: {  	_ = 	snop  }
0xf6: {  	s1 =	sadd.s32 @p1 $0x10, s1  }
0xf7: {  	s3 =	smov.u32 @p1 s1  }
0xf8: {  	[tilespmem:s3+$0x0] =	vst v4  }
.LBB2_58:
0xf9: {  	s11 =	smov.u32 @p1 s1  }
.LBB2_20:
0xfa: {  	s1 =	sadd.s32 $0x2, s21  }
0xfb: {  	s2 =	smulhi.u32 $0x66666667, s1;
	_ =	sdelay $0x1  }
0xfc: {  	s2 =	sshrl.u32 s2, $0x1  }
0xfd: {  	s2 =	smul.u32 $0x5, s2  }
0xfe: {  	s9 =	simm.s32 $0x2;
	s3 =	smul.u32 $0x7D0, s1  }
0xff: {  	_ =	swait.ge [sflag:s9], $0x1770;
	s1 =	ssub.s32 s1, s2  }
0x100: {  	[sflag:s9] =	ssyncset.done $0x0;
	s13 =	sadd.s32 s8, s3;
	s1 =	smul.u32 $0x7D0, s1  }
0x101: {  	[sflag:s9] =	ssyncadd.s32 $0xFFFFE890;
	s2 =	sshrl.u32 s13, $0x3  }
0x102: {  	s13 =	simm.s32 $0x0;
	s21 =	sadd.s32 s20, s2;
	s16 =	sadd.s32 $0x10010, s1  }
0x103: {  	v4 =	vmov s0;
	[tilespmem:s16], [sflag:$0x1] =	stream.linear.gather [hbm4b:s21+s13], $0x7D0, $0x38;
	[tilespmem:$0x1E790] =	vst v63  }
0x104: {  	p1 =	sgt.s32 s22, $0x2B10;
	v5 =	vmov s4;
	s16 =	sadd.s32 $0x12810, s1;
	s21 =	sadd.s32 s17, s2  }
0x105: {  	[tilespmem:s16], [sflag:$0x1] =	stream.linear.gather [hbm4b:s21+s13], $0x7D0, $0x38;
	[tilespmem:$0x1E790] =	vst v63  }
0x106: {  	v6 =	vmov s5;
	s22 =	simm.s32 $0x0;
	s1 =	sadd.s32 $0x15010, s1;
	s2 =	sadd.s32 s15, s2  }
0x107: {  	[tilespmem:s1], [sflag:$0x1] =	stream.linear.gather [hbm4b:s2+s13], $0x7D0, $0x38;
	[tilespmem:$0x1E790] =	vst v63  }
0x108: {  	v7 =	vld.idx.msk [tilespmem:v4+s22+$0x0 ss:$0x1], $0xffff  }
0x109: {  	v8 =	vld.idx.msk [tilespmem:v5+s22+$0x0 ss:$0x1], $0xffff;
	_ =	sdelay $0x1  }
0x10a: {  	v9 =	vld.idx.msk [tilespmem:v6+s22+$0x0 ss:$0x1], $0xffff;
	_ =	sdelay $0x1  }
0x10b: {  	v7 =	vtrunc.f32 v7  }
0x10c: {  	v8 =	vtrunc.f32 v8;
	v7 =	vcvt.f32.s32 v7  }
0x10d: {  	v8 =	vcvt.f32.s32 v8  }
0x10e: {  	v9 =	vtrunc.f32 v9;
	v7 =	vshll.u32 v7, $0xE  }
0x10f: {  	v9 =	vcvt.f32.s32 v9;
	v8 =	vshll.u32 v8, $0x7;
	v7 =	vadd.s32 v0, v7  }
0x110: {  	v7 =	vadd.s32 v8, v7  }
0x111: {  	v7 =	vadd.s32 v9, v7  }
0x112: {  	vm0 =	vlt.u32 v7, $0x100000  }
0x113: {  	v8 =	vmpcnt.ones.xlane vm0;
	_ =	sdelay $0x1  }
0x114: {  	s0 =	simm.s32 $0x80;
	s24 =	simm.s32 @p1 $0x0;
	s1 =	simm.s32 $0x10;
	[tilespmem:s11+$0x17810] =	vst.msk vm0, v7;
	(v2sf) =	vpush v8, $0x0  }
.LBB2_21:
0x115: {  	p1 =	seq.s32 s0, $0x1F00;
	v7 =	vld.idx.msk [tilespmem:v4+s1+$0x0 ss:$0x1], $0xffff  }
0x116: {  	v8 =	vld.idx.msk [tilespmem:v5+s1+$0x0 ss:$0x1], $0xffff;
	_ =	sdelay $0x1  }
0x117: {  	v9 =	vld.idx.msk [tilespmem:v6+s1+$0x0 ss:$0x1], $0xffff;
	_ =	sdelay $0x2  }
0x118: {  	v7 =	vtrunc.f32 v7  }
0x119: {  	v7 =	vcvt.f32.s32 v7;
	v8 =	vtrunc.f32 v8  }
0x11a: {  	v8 =	vcvt.f32.s32 v8  }
0x11b: {  	v9 =	vtrunc.f32 v9;
	v7 =	vshll.u32 v7, $0xE  }
0x11c: {  	v9 =	vcvt.f32.s32 v9;
	v8 =	vshll.u32 v8, $0x7;
	v7 =	vadd.s32 v0, v7  }
0x11d: {  	v7 =	vadd.s32 v8, v7  }
.Ltmp13:
0x11e: {  	v7 =	vadd.s32 v9, v7;
	(pc) =	sbr.rel @!p1 .LBB2_21-.Ltmp13, $4  }
0x11f: {  	vm0 =	vlt.u32 v7, $0x100000  }
0x120: {  	v8 =	vmpcnt.ones.xlane vm0;
	s1 =	spop (v2sf)  }
0x121: {  	s11 =	sadd.s32 s11, s1  }
0x122: {  	s1 =	sshra.s32 s0, $0x2;
	s0 =	sadd.s32 $0x40, s0;
	[tilespmem:s11+$0x17810] =	vst.msk vm0, v7;
	(v2sf) =	vpush v8, $0x0  }
0x123: {  	_ =	sdelay $0x3  }
0x124: {  	v4 =	vld.idx.msk [tilespmem:v4+s1+$0x0 ss:$0x1], $0xffff  }
0x125: {  	v5 =	vld.idx.msk [tilespmem:v5+s1+$0x0 ss:$0x1], $0xffff;
	_ =	sdelay $0x1  }
0x126: {  	v6 =	vld.idx.msk [tilespmem:v6+s1+$0x0 ss:$0x1], $0xffff;
	_ =	sdelay $0x1  }
0x127: {  	v4 =	vtrunc.f32 v4  }
0x128: {  	v5 =	vtrunc.f32 v5;
	v4 =	vcvt.f32.s32 v4  }
0x129: {  	v5 =	vcvt.f32.s32 v5  }
0x12a: {  	v6 =	vtrunc.f32 v6;
	v4 =	vshll.u32 v4, $0xE  }
0x12b: {  	v6 =	vcvt.f32.s32 v6;
	v5 =	vshll.u32 v5, $0x7;
	v4 =	vadd.s32 v0, v4  }
0x12c: {  	v4 =	vadd.s32 v5, v4  }
0x12d: {  	v4 =	vadd.s32 v6, v4  }
0x12e: {  	vm0 =	vlt.u32 v4, $0x100000  }
0x12f: {  	v5 =	vmpcnt.ones.xlane vm0;
	_ =	sdelay $0x1  }
0x130: {  	(v2sf) =	vpush v5, $0x0;
	_ =	sdelay $0xd  }
0x131: {  	s0 =	spop (v2sf)  }
0x132: {  	s22 =	sshll.u32 s24, $0xA;
	s0 =	sadd.s32 s11, s0;
	s21 =	spop (v2sf)  }
0x133: {  	[tilespmem:s0+$0x17810] =	vst.msk vm0, v4;
	s1 =	sadd.s32 s0, s21;
	s0 =	sadd.s32 $0x400, s22  }
0x134: {  	p1 =	sgt.s32 s0, s1  }
.Ltmp14:
0x135: {  	_ = 	snop;
	(pc) =	sbr.rel @p1 .LBB2_26-.Ltmp14, $1  }
0x136: {  	_ =	sdelay $0x3  }
0x137: {  	s0 =	sadd.s32 $0x400, s0  }
0x138: {  	s2 =	sshll.u32 s24, $0xC;
	p1 =	sle.s32 s0, s1  }
.Ltmp15:
0x139: {  	s2 =	sshra.s32 s2, $0x2;
	(pc) =	sbr.rel @!p1 .LBB2_25-.Ltmp15, $4  }
0x13a: {  	s2 =	sadd.s32 $0x17810, s2  }
0x13b: {  	[spmem:s7] =	stream.indirect.scatter.add.f32 [tilespmem:s19], [sflag:$0x3], $0x1, s2, s18, $0xb8;
	[tilespmem:$0x1E790] =	vst v63  }
0x13c: {  	_ =	swait.ge [sflag:s12], $0x400  }
0x13d: {  	s2 =	sadd.s32 $0x400, s2;
	[sflag:s12] =	ssyncset.done $0x0  }
.LBB2_24:
0x13e: {  	s0 =	sadd.s32 $0x400, s0  }
0x13f: {  	[sflag:s12] =	ssyncadd.s32 $0xFFFFFC00;
	s24 =	sadd.s32 $0x1, s24;
	p1 =	sle.s32 s0, s1  }
.Ltmp16:
0x140: {  	(pc) =	sbr.rel @p1 .LBB2_24-.Ltmp16, $4  }
0x141: {  	_ = 	snop  }
0x142: {  	[spmem:s7] =	stream.indirect.scatter.add.f32 [tilespmem:s19], [sflag:$0x3], $0x1, s2, s18, $0xb8;
	[tilespmem:$0x1E790] =	vst v63  }
0x143: {  	_ =	swait.ge [sflag:s12], $0x400  }
0x144: {  	s2 =	sadd.s32 $0x400, s2;
	[sflag:s12] =	ssyncset.done $0x0  }
.LBB2_25:
0x145: {  	[sflag:s12] =	ssyncadd.s32 $0xFFFFFC00;
	s24 =	sadd.s32 $0x1, s24  }
.LBB2_26:
0x146: {  	s0 =	sadd.s32 $0x7E0, s1  }
0x147: {  	p1 =	slt.s32 s0, $0x2B11  }
0x148: {  	s2 =	sshll.u32 @!p1 s24, $0xA  }
0x149: {  	s11 =	ssub.s32 @!p1 s1, s2  }
0x14a: {  	s3 =	sadd.s32 @!p1 $0xF, s11  }
0x14b: {  	s4 =	sand.u32 @!p1 $0xF, s3  }
0x14c: {  	p2 =	slt.s32 @!p1 s3, $0x1;
	p3 =	sne.s32 @!p1 s4, $0x0  }
0x14d: {  	s4 =	sshra.s32 @!p1 s3, $0x1F;
	p2 =	por @!p1 !p2, !p3  }
0x14e: {  	s4 =	sshrl.u32 @!p1 s4, $0x1C;
	p2 =	por @!p1 !p2, !p2  }
0x14f: {  	s3 =	sadd.s32 @!p1 s4, s3;
	s4 =	simm.s32 @!p1 $0x1;
	p2 =	por !p2, p1  }
0x150: {  	s3 =	sshra.s32 @!p1 s3, $0x4;
	s4 =	simm.s32 @p2 $0x0  }
0x151: {  	s3 =	ssub.s32 @!p1 s3, s4  }
0x152: {  	p2 =	slt.s32 @!p1 s3, $0x1  }
0x153: {  	p2 =	por p1, p2  }
.Ltmp17:
0x154: {  	_ = 	snop;
	(pc) =	sbr.rel @p2 .LBB2_59-.Ltmp17, $1  }
0x155: {  	_ =	sdelay $0x3  }
0x156: {  	p2 =	sne.s32 s3, $0x1  }
.Ltmp18:
0x157: {  	_ = 	snop;
	(pc) =	sbr.rel @!p2 .LBB2_28-.Ltmp18, $4  }
0x158: {  	s4 =	simm.s32 @!p1 $0x0;
	s5 =	sadd.s32 $0x0, s2  }
0x159: {  	s5 =	sand.u32 $0xFFFFFF80, s5;
	s4 =	sand.u32 $0x70, s4  }
0x15a: {  	s1 =	simm.s32 @!p1 $0x17810;
	s4 =	sor.u32 s4, s5  }
0x15b: {  	s3 =	sadd.s32 $0xFFFFFFFF, s3;
	p1 =	por $0x0, $0x0;
	v4 =	vld [tilespmem:s4+$0x17810];
	s4 =	simm.s32 $0x10  }
0x15c: {  	_ = 	snop  }
0x15d: {  	p2 =	sne.s32 s3, $0x1  }
.Ltmp19:
0x15e: {  	s5 =	sadd.s32 $0x10, s2;
	(pc) =	sbr.rel @!p2 .LBB2_30-.Ltmp19, $4  }
0x15f: {  	s4 =	sand.u32 $0x70, s4;
	s5 =	sand.u32 $0xFFFFFF80, s5  }
0x160: {  	s5 =	sor.u32 s4, s5;
	[tilespmem:s1+$0x0] =	vst v4  }
0x161: {  	p1 =	por $0x1, $0x1;
	v4 =	vld [tilespmem:s5+$0x17810]  }
0x162: {  	s4 =	sadd.s32 $0xFFFFFFFF, s3;
	s3 =	smov.u32 s1;
	s5 =	simm.s32 $0x20  }
.LBB2_31:
0x163: {  	s9 =	sadd.s32 s5, s2  }
0x164: {  	p2 =	sne.s32 s4, $0x1;
	s4 =	sadd.s32 $0xFFFFFFFF, s4;
	s13 =	sand.u32 $0x70, s5  }
.Ltmp20:
0x165: {  	s3 =	sadd.s32 $0x10, s3;
	s9 =	sand.u32 $0xFFFFFF80, s9;
	(pc) =	sbr.rel @p2 .LBB2_31-.Ltmp20, $3  }
0x166: {  	s9 =	sor.u32 s13, s9;
	[tilespmem:s3+$0x0] =	vst v4  }
0x167: {  	v4 =	vld [tilespmem:s9+$0x17810];
	_ =	sdelay $0x1  }
0x168: {  	s5 =	sadd.s32 $0x10, s5  }
.LBB2_32:
.Ltmp21:
0x169: {  	(pc) =	sbr.rel .LBB2_33-.Ltmp21, $4  }
0x16a: {  	_ = 	snop  }
0x16b: {  	s2 =	sadd.s32 @p1 $0x10, s3  }
0x16c: {  	s1 =	smov.u32 @p1 s2  }
0x16d: {  	[tilespmem:s1+$0x0] =	vst v4  }
.LBB2_14:
.Ltmp22:
0x16e: {  	(pc) =	sbr.rel .LBB2_19-.Ltmp22, $2  }
0x16f: {  	_ =	sdelay $0x2  }
0x170: {  	s1 =	smov.u32 s3  }
.LBB2_28:
.Ltmp23:
0x171: {  	(pc) =	sbr.rel .LBB2_32-.Ltmp23, $2  }
0x172: {  	_ =	sdelay $0x2  }
0x173: {  	s3 =	smov.u32 s1  }
.LBB2_16:
.Ltmp24:
0x174: {  	(pc) =	sbr.rel .LBB2_19-.Ltmp24, $3  }
0x175: {  	_ =	sdelay $0x1  }
0x176: {  	s1 =	smov.u32 s3;
	s20 =	smov.u32 s17  }
0x177: {  	s17 =	smov.u32 s15;
	s15 =	smov.u32 s8;
	s8 =	rddreg [dreg:$0x8]  }
.LBB2_30:
.Ltmp25:
0x178: {  	(pc) =	sbr.rel .LBB2_32-.Ltmp25, $2  }
0x179: {  	_ =	sdelay $0x2  }
0x17a: {  	s3 =	smov.u32 s1  }
.LBB2_34:
0x17b: {  	s0 =	simm.s32 $0x1  }
0x17c: {  	_ =	swait.ge [sflag:s0], $0x1770  }
0x17d: {  	[sflag:s0] =	ssyncset.done $0x0  }
0x17e: {  	s31 =	simm.s32 $0x0;
	[sflag:s0] =	ssyncadd.s32 $0xFFFFE890  }
0x17f: {  	v4 =	vld [tilespmem:s31+$0x11F50]  }
0x180: {  	v5 =	vld [tilespmem:s31+$0x14750];
	_ =	sdelay $0x1  }
0x181: {  	v6 =	vld [tilespmem:s31+$0x16F50];
	_ =	sdelay $0x1  }
0x182: {  	v4 =	vtrunc.f32 v4  }
0x183: {  	v5 =	vtrunc.f32 v5;
	v4 =	vcvt.f32.s32 v4  }
0x184: {  	v5 =	vcvt.f32.s32 v5  }
0x185: {  	v6 =	vtrunc.f32 v6;
	v4 =	vshll.u32 v4, $0xE  }
0x186: {  	v6 =	vcvt.f32.s32 v6;
	v5 =	vshll.u32 v5, $0x7;
	v4 =	vadd.s32 v0, v4  }
0x187: {  	v4 =	vadd.s32 v5, v4  }
0x188: {  	v4 =	vadd.s32 v6, v4  }
0x189: {  	s22 =	rddreg [dreg:$0xc];
	vm0 =	vlt.u32 v4, $0x100000  }
0x18a: {  	s23 =	rddreg [dreg:$0xf];
	v5 =	vmpcnt.ones.xlane vm0  }
0x18b: {  	s1 =	simm.s32 $0x10;
	s13 =	rddreg [dreg:$0x0]  }
0x18c: {  	s21 =	simm.s32 $0x0;
	s25 =	simm.s32 $0x1C790;
	s8 =	rddreg [dreg:$0x4];
	(v2sf) =	vpush v5, $0x0  }
0x18d: {  	s26 =	simm.s32 $0x1D790;
	s0 =	simm.s32 $0x80;
	s16 =	rddreg [dreg:$0x5];
	[tilespmem:s11+$0x17810] =	vst.msk vm0, v4  }
.LBB2_35:
0x18e: {  	p1 =	seq.s32 s0, $0x1F00;
	v4 =	vld [tilespmem:s1+$0x11F50]  }
0x18f: {  	v5 =	vld [tilespmem:s1+$0x14750];
	_ =	sdelay $0x1  }
0x190: {  	v6 =	vld [tilespmem:s1+$0x16F50];
	_ =	sdelay $0x1  }
0x191: {  	v4 =	vtrunc.f32 v4  }
0x192: {  	v4 =	vcvt.f32.s32 v4;
	v5 =	vtrunc.f32 v5  }
0x193: {  	v5 =	vcvt.f32.s32 v5  }
0x194: {  	v6 =	vtrunc.f32 v6;
	v4 =	vshll.u32 v4, $0xE  }
0x195: {  	v6 =	vcvt.f32.s32 v6;
	v5 =	vshll.u32 v5, $0x7;
	v4 =	vadd.s32 v0, v4  }
0x196: {  	v4 =	vadd.s32 v5, v4  }
0x197: {  	v4 =	vadd.s32 v6, v4  }
.Ltmp26:
0x198: {  	vm0 =	vlt.u32 v4, $0x100000;
	(pc) =	sbr.rel @!p1 .LBB2_35-.Ltmp26, $4  }
0x199: {  	v5 =	vmpcnt.ones.xlane vm0;
	s1 =	spop (v2sf)  }
0x19a: {  	s11 =	sadd.s32 s11, s1  }
0x19b: {  	[tilespmem:s11+$0x17810] =	vst.msk vm0, v4;
	(v2sf) =	vpush v5, $0x0  }
0x19c: {  	s1 =	sshra.s32 s0, $0x2;
	s0 =	sadd.s32 $0x40, s0  }
0x19d: {  	v4 =	vld [tilespmem:s1+$0x11F50]  }
0x19e: {  	v5 =	vld [tilespmem:s1+$0x14750];
	_ =	sdelay $0x1  }
0x19f: {  	v6 =	vld [tilespmem:s1+$0x16F50];
	_ =	sdelay $0x1  }
0x1a0: {  	v4 =	vtrunc.f32 v4  }
0x1a1: {  	v5 =	vtrunc.f32 v5;
	v4 =	vcvt.f32.s32 v4  }
0x1a2: {  	v5 =	vcvt.f32.s32 v5  }
0x1a3: {  	v6 =	vtrunc.f32 v6;
	v4 =	vshll.u32 v4, $0xE  }
0x1a4: {  	v6 =	vcvt.f32.s32 v6;
	v5 =	vshll.u32 v5, $0x7;
	v4 =	vadd.s32 v0, v4  }
0x1a5: {  	v4 =	vadd.s32 v5, v4  }
0x1a6: {  	v4 =	vadd.s32 v6, v4  }
0x1a7: {  	vm0 =	vlt.u32 v4, $0x100000  }
0x1a8: {  	v5 =	vmpcnt.ones.xlane vm0;
	_ =	sdelay $0x1  }
0x1a9: {  	(v2sf) =	vpush v5, $0x0;
	_ =	sdelay $0xd  }
0x1aa: {  	s0 =	spop (v2sf)  }
0x1ab: {  	s31 =	sshll.u32 s24, $0xA;
	s0 =	sadd.s32 s11, s0;
	s30 =	spop (v2sf)  }
0x1ac: {  	[tilespmem:s0+$0x17810] =	vst.msk vm0, v4;
	s5 =	sadd.s32 s0, s30;
	s0 =	sadd.s32 $0x400, s31  }
0x1ad: {  	p1 =	sgt.s32 s0, s5  }
.Ltmp27:
0x1ae: {  	_ = 	snop;
	(pc) =	sbr.rel @p1 .LBB2_40-.Ltmp27, $1  }
0x1af: {  	_ =	sdelay $0x3  }
0x1b0: {  	s0 =	sadd.s32 $0x400, s0  }
0x1b1: {  	s1 =	sshll.u32 s24, $0xC;
	p1 =	sle.s32 s0, s5  }
.Ltmp28:
0x1b2: {  	s1 =	sshra.s32 s1, $0x2;
	(pc) =	sbr.rel @!p1 .LBB2_39-.Ltmp28, $4  }
0x1b3: {  	s1 =	sadd.s32 $0x17810, s1  }
0x1b4: {  	[spmem:s7] =	stream.indirect.scatter.add.f32 [tilespmem:s19], [sflag:$0x3], $0x1, s1, s18, $0xb8;
	[tilespmem:$0x1E790] =	vst v63  }
0x1b5: {  	_ =	swait.ge [sflag:s12], $0x400  }
0x1b6: {  	s1 =	sadd.s32 $0x400, s1;
	[sflag:s12] =	ssyncset.done $0x0  }
.LBB2_38:
0x1b7: {  	s0 =	sadd.s32 $0x400, s0  }
0x1b8: {  	[sflag:s12] =	ssyncadd.s32 $0xFFFFFC00;
	s24 =	sadd.s32 $0x1, s24;
	p1 =	sle.s32 s0, s5  }
.Ltmp29:
0x1b9: {  	(pc) =	sbr.rel @p1 .LBB2_38-.Ltmp29, $4  }
0x1ba: {  	_ = 	snop  }
0x1bb: {  	[spmem:s7] =	stream.indirect.scatter.add.f32 [tilespmem:s19], [sflag:$0x3], $0x1, s1, s18, $0xb8;
	[tilespmem:$0x1E790] =	vst v63  }
0x1bc: {  	_ =	swait.ge [sflag:s12], $0x400  }
0x1bd: {  	s1 =	sadd.s32 $0x400, s1;
	[sflag:s12] =	ssyncset.done $0x0  }
.LBB2_39:
0x1be: {  	[sflag:s12] =	ssyncadd.s32 $0xFFFFFC00;
	s24 =	sadd.s32 $0x1, s24  }
.LBB2_40:
0x1bf: {  	s0 =	sadd.s32 $0x7E0, s5  }
0x1c0: {  	s4 =	sshll.u32 s24, $0xA;
	p1 =	slt.s32 s0, $0x2B11  }
0x1c1: {  	s0 =	ssub.s32 @!p1 s5, s4  }
0x1c2: {  	s1 =	sadd.s32 @!p1 $0xF, s0  }
0x1c3: {  	s2 =	sand.u32 @!p1 $0xF, s1  }
0x1c4: {  	p2 =	slt.s32 @!p1 s1, $0x1;
	p3 =	sne.s32 @!p1 s2, $0x0  }
0x1c5: {  	s2 =	sshra.s32 @!p1 s1, $0x1F;
	p2 =	por @!p1 !p2, !p3  }
0x1c6: {  	s2 =	sshrl.u32 @!p1 s2, $0x1C;
	p2 =	por @!p1 !p2, !p2  }
0x1c7: {  	s1 =	sadd.s32 @!p1 s2, s1;
	s2 =	simm.s32 @!p1 $0x1;
	p2 =	por !p2, p1  }
0x1c8: {  	s1 =	sshra.s32 @!p1 s1, $0x4;
	s2 =	simm.s32 @p2 $0x0  }
0x1c9: {  	s2 =	ssub.s32 @!p1 s1, s2  }
0x1ca: {  	p2 =	slt.s32 @!p1 s2, $0x1  }
0x1cb: {  	p2 =	por p1, p2  }
.Ltmp30:
0x1cc: {  	_ = 	snop;
	(pc) =	sbr.rel @p2 .LBB2_41-.Ltmp30, $2  }
0x1cd: {  	_ =	sdelay $0x2  }
0x1ce: {  	s3 =	simm.s32 @!p1 $0x0;
	s1 =	simm.s32 @!p1 $0x17810  }
0x1cf: {  	p2 =	sne.s32 s2, $0x1  }
.Ltmp31:
0x1d0: {  	_ = 	snop;
	(pc) =	sbr.rel @!p2 .LBB2_43-.Ltmp31, $4  }
0x1d1: {  	s5 =	sadd.s32 s3, s4  }
0x1d2: {  	s6 =	sand.u32 $0x70, s3;
	s5 =	sand.u32 $0xFFFFFF80, s5  }
0x1d3: {  	s2 =	sadd.s32 $0xFFFFFFFF, s2;
	s5 =	sor.u32 s6, s5  }
0x1d4: {  	p1 =	por $0x0, $0x0;
	s24 =	simm.s32 $0x1B790;
	v4 =	vld [tilespmem:s5+$0x17810];
	s5 =	sadd.s32 $0x10, s3  }
0x1d5: {  	_ = 	snop  }
0x1d6: {  	p2 =	sne.s32 s2, $0x1  }
.Ltmp32:
0x1d7: {  	s3 =	sadd.s32 s5, s4;
	(pc) =	sbr.rel @!p2 .LBB2_45-.Ltmp32, $4  }
0x1d8: {  	s6 =	sand.u32 $0x70, s5;
	s3 =	sand.u32 $0xFFFFFF80, s3  }
0x1d9: {  	s6 =	sor.u32 s6, s3;
	[tilespmem:s1+$0x0] =	vst v4  }
0x1da: {  	s5 =	sadd.s32 $0x10, s5;
	v4 =	vld [tilespmem:s6+$0x17810]  }
0x1db: {  	p1 =	por $0x1, $0x1;
	s3 =	sadd.s32 $0xFFFFFFFF, s2;
	s2 =	smov.u32 s1  }
.LBB2_46:
0x1dc: {  	s6 =	sadd.s32 s5, s4  }
0x1dd: {  	p2 =	sne.s32 s3, $0x1;
	s3 =	sadd.s32 $0xFFFFFFFF, s3;
	s9 =	sand.u32 $0x70, s5  }
.Ltmp33:
0x1de: {  	s2 =	sadd.s32 $0x10, s2;
	s6 =	sand.u32 $0xFFFFFF80, s6;
	(pc) =	sbr.rel @p2 .LBB2_46-.Ltmp33, $3  }
0x1df: {  	s6 =	sor.u32 s9, s6;
	[tilespmem:s2+$0x0] =	vst v4  }
0x1e0: {  	v4 =	vld [tilespmem:s6+$0x17810];
	_ =	sdelay $0x1  }
0x1e1: {  	s5 =	sadd.s32 $0x10, s5  }
.LBB2_47:
.Ltmp34:
0x1e2: {  	(pc) =	sbr.rel .LBB2_48-.Ltmp34, $4  }
0x1e3: {  	_ = 	snop  }
0x1e4: {  	s2 =	sadd.s32 @p1 $0x10, s2  }
0x1e5: {  	s1 =	smov.u32 @p1 s2  }
0x1e6: {  	s4 =	simm.s32 $0x0;
	[tilespmem:s1+$0x0] =	vst v4  }
.LBB2_41:
0x1e7: {  	s4 =	simm.s32 @!p1 $0x0;
	s0 =	smov.u32 @p1 s5;
	s24 =	simm.s32 $0x1B790  }
.LBB2_48:
0x1e8: {  	[tilespmem:s0+$0x17810] =	vst v3  }
0x1e9: {  	[tilespmem:s0+$0x17820] =	vst v3  }
0x1ea: {  	[tilespmem:s0+$0x17830] =	vst v3  }
0x1eb: {  	[tilespmem:s0+$0x17840] =	vst v3  }
0x1ec: {  	[tilespmem:s0+$0x17850] =	vst v3  }
0x1ed: {  	[tilespmem:s0+$0x17860] =	vst v3  }
0x1ee: {  	[tilespmem:s0+$0x17870] =	vst v3  }
0x1ef: {  	[tilespmem:s0+$0x17880] =	vst v3  }
0x1f0: {  	[tilespmem:s0+$0x17890] =	vst v3  }
0x1f1: {  	[tilespmem:s0+$0x178A0] =	vst v3  }
0x1f2: {  	[tilespmem:s0+$0x178B0] =	vst v3  }
0x1f3: {  	[tilespmem:s0+$0x178C0] =	vst v3  }
0x1f4: {  	[tilespmem:s0+$0x178D0] =	vst v3  }
0x1f5: {  	[tilespmem:s0+$0x178E0] =	vst v3  }
0x1f6: {  	[tilespmem:s0+$0x178F0] =	vst v3  }
0x1f7: {  	[tilespmem:s0+$0x17900] =	vst v3  }
0x1f8: {  	[tilespmem:s0+$0x17910] =	vst v3  }
0x1f9: {  	[tilespmem:s0+$0x17920] =	vst v3  }
0x1fa: {  	[tilespmem:s0+$0x17930] =	vst v3  }
0x1fb: {  	[tilespmem:s0+$0x17940] =	vst v3  }
0x1fc: {  	[tilespmem:s0+$0x17950] =	vst v3  }
0x1fd: {  	[tilespmem:s0+$0x17960] =	vst v3  }
0x1fe: {  	[tilespmem:s0+$0x17970] =	vst v3  }
0x1ff: {  	[tilespmem:s0+$0x17980] =	vst v3  }
0x200: {  	[tilespmem:s0+$0x17990] =	vst v3  }
0x201: {  	[tilespmem:s0+$0x179A0] =	vst v3  }
0x202: {  	[tilespmem:s0+$0x179B0] =	vst v3  }
0x203: {  	[tilespmem:s0+$0x179C0] =	vst v3  }
0x204: {  	[tilespmem:s0+$0x179D0] =	vst v3  }
0x205: {  	[tilespmem:s0+$0x179E0] =	vst v3  }
0x206: {  	[tilespmem:s0+$0x179F0] =	vst v3  }
0x207: {  	[tilespmem:s0+$0x17A00] =	vst v3  }
0x208: {  	[tilespmem:s0+$0x17A10] =	vst v3  }
0x209: {  	[tilespmem:s0+$0x17A20] =	vst v3  }
0x20a: {  	[tilespmem:s0+$0x17A30] =	vst v3  }
0x20b: {  	[tilespmem:s0+$0x17A40] =	vst v3  }
0x20c: {  	[tilespmem:s0+$0x17A50] =	vst v3  }
0x20d: {  	[tilespmem:s0+$0x17A60] =	vst v3  }
0x20e: {  	[tilespmem:s0+$0x17A70] =	vst v3  }
0x20f: {  	[tilespmem:s0+$0x17A80] =	vst v3  }
0x210: {  	[tilespmem:s0+$0x17A90] =	vst v3  }
0x211: {  	[tilespmem:s0+$0x17AA0] =	vst v3  }
0x212: {  	[tilespmem:s0+$0x17AB0] =	vst v3  }
0x213: {  	[tilespmem:s0+$0x17AC0] =	vst v3  }
0x214: {  	[tilespmem:s0+$0x17AD0] =	vst v3  }
0x215: {  	[tilespmem:s0+$0x17AE0] =	vst v3  }
0x216: {  	[tilespmem:s0+$0x17AF0] =	vst v3  }
0x217: {  	[tilespmem:s0+$0x17B00] =	vst v3  }
0x218: {  	[tilespmem:s0+$0x17B10] =	vst v3  }
0x219: {  	[tilespmem:s0+$0x17B20] =	vst v3  }
0x21a: {  	[tilespmem:s0+$0x17B30] =	vst v3;
	s1 =	ssub.s32 s0, s4  }
0x21b: {  	[tilespmem:s0+$0x17B40] =	vst v3;
	s1 =	sadd.s32 $0x3FF, s1  }
0x21c: {  	[tilespmem:s0+$0x17B50] =	vst v3;
	s2 =	sand.u32 $0x3FF, s1  }
0x21d: {  	[tilespmem:s0+$0x17B60] =	vst v3;
	s31 =	sshra.s32 s1, $0x1F;
	p2 =	slt.s32 s1, $0x1;
	p1 =	sne.s32 s2, $0x0  }
0x21e: {  	[tilespmem:s0+$0x17B70] =	vst v3;
	s2 =	sshrl.u32 s31, $0x16;
	p1 =	por !p2, !p1  }
0x21f: {  	[tilespmem:s0+$0x17B80] =	vst v3;
	s1 =	sadd.s32 s2, s1;
	s2 =	simm.s32 $0x1;
	p1 =	por !p1, !p1  }
0x220: {  	[tilespmem:s0+$0x17B90] =	vst v3;
	s1 =	sshra.s32 s1, $0xA;
	s2 =	simm.s32 @!p1 $0x0  }
0x221: {  	[tilespmem:s0+$0x17BA0] =	vst v3;
	s1 =	ssub.s32 s1, s2  }
0x222: {  	[tilespmem:s0+$0x17BB0] =	vst v3;
	p1 =	slt.s32 s1, $0x1  }
.Ltmp35:
0x223: {  	[tilespmem:s0+$0x17BC0] =	vst v3;
	(pc) =	sbr.rel @p1 .LBB2_52-.Ltmp35, $4  }
0x224: {  	[tilespmem:s0+$0x17BD0] =	vst v3  }
0x225: {  	[tilespmem:s0+$0x17BE0] =	vst v3  }
0x226: {  	[tilespmem:s0+$0x17BF0] =	vst v3  }
0x227: {  	[tilespmem:s0+$0x17C00] =	vst v3  }
0x228: {  	p1 =	sne.s32 s1, $0x1  }
.Ltmp36:
0x229: {  	_ = 	snop;
	(pc) =	sbr.rel @!p1 .LBB2_51-.Ltmp36, $4  }
0x22a: {  	s0 =	sadd.s32 $0x17810, s4  }
0x22b: {  	[spmem:s7] =	stream.indirect.scatter.add.f32 [tilespmem:s19], [sflag:$0x3], $0x1, s0, s18, $0xb8;
	[tilespmem:$0x1E790] =	vst v63  }
0x22c: {  	_ =	swait.ge [sflag:s12], $0x400  }
0x22d: {  	s1 =	sadd.s32 $0xFFFFFFFF, s1;
	[sflag:s12] =	ssyncset.done $0x0  }
.LBB2_50:
0x22e: {  	p1 =	sne.s32 s1, $0x1;
	[sflag:s12] =	ssyncadd.s32 $0xFFFFFC00;
	s0 =	sadd.s32 $0x400, s0  }
.Ltmp37:
0x22f: {  	s1 =	sadd.s32 $0xFFFFFFFF, s1;
	(pc) =	sbr.rel @p1 .LBB2_50-.Ltmp37, $4  }
0x230: {  	_ = 	snop  }
0x231: {  	[spmem:s7] =	stream.indirect.scatter.add.f32 [tilespmem:s19], [sflag:$0x3], $0x1, s0, s18, $0xb8;
	[tilespmem:$0x1E790] =	vst v63  }
0x232: {  	_ =	swait.ge [sflag:s12], $0x400  }
0x233: {  	[sflag:s12] =	ssyncset.done $0x0  }
.LBB2_51:
0x234: {  	[sflag:s12] =	ssyncadd.s32 $0xFFFFFC00  }
.LBB2_52:
0x235: {  	[bflag:$0x0] =	sbarrier.arrive $0xFFFF;
	s0 =	simm.s32 $0x0  }
.LBB2_53:
0x236: {  	s1 =	sshll.u32 s0, $0xC  }
0x237: {  	s1 =	sadd.s32 s22, s1  }
0x238: {  	s2 =	sadd.s32 s1, s7  }
0x239: {  	[tilespmem:s24], [sflag:$0x3] =	stream.linear.gather [spmem:s2], $0x1000, $0x38;
	[tilespmem:$0x1E790] =	vst v63  }
0x23a: {  	s1 =	sor.u32 s23, s1;
	_ =	swait.ge [sflag:s12], $0x1000  }
0x23b: {  	s4 =	sshrl.u32 s1, $0x3;
	[sflag:s12] =	ssyncset.done $0x0  }
0x23c: {  	s1 =	sadd.s32 s13, s4;
	[sflag:s12] =	ssyncadd.s32 $0xFFFFF000  }
0x23d: {  	[tilespmem:s25], [sflag:$0x3] =	stream.linear.gather [hbm4b:s1+s21], $0x1000, $0x38;
	[tilespmem:$0x1E790] =	vst v63  }
0x23e: {  	_ =	swait.ge [sflag:s12], $0x1000  }
0x23f: {  	[sflag:s12] =	ssyncset.done $0x0  }
0x240: {  	s5 =	simm.s32 $0x1B7D0;
	[sflag:s12] =	ssyncadd.s32 $0xFFFFF000  }
0x241: {  	s6 =	simm.s32 $0x1C7D0;
	v4 =	vld [tilespmem:s5+$0xFFFFFFC0]  }
0x242: {  	v5 =	vld [tilespmem:s6+$0xFFFFFFC0];
	_ =	sdelay $0x3  }
0x243: {  	vm0 =	vgt.f32 v4, $0.0e+00  }
0x244: {  	s10 =	simm.s32 $0x1D7D0;
	v4 =	vnsel vm0, $0x0, v5  }
0x245: {  	[tilespmem:s10+$0xFFFFFFC0] =	vst v4  }
0x246: {  	v4 =	vld [tilespmem:s5+$0xFFFFFFD0]  }
0x247: {  	v5 =	vld [tilespmem:s6+$0xFFFFFFD0];
	_ =	sdelay $0x3  }
0x248: {  	vm9 =	vgt.f32 v4, $0.0e+00  }
0x249: {  	v4 =	vnsel vm9, $0x0, v5  }
0x24a: {  	[tilespmem:s10+$0xFFFFFFD0] =	vst v4  }
0x24b: {  	v4 =	vld [tilespmem:s5+$0xFFFFFFE0]  }
0x24c: {  	v5 =	vld [tilespmem:s6+$0xFFFFFFE0];
	_ =	sdelay $0x3  }
0x24d: {  	vm10 =	vgt.f32 v4, $0.0e+00  }
0x24e: {  	v4 =	vnsel vm10, $0x0, v5  }
0x24f: {  	[tilespmem:s10+$0xFFFFFFE0] =	vst v4  }
0x250: {  	v4 =	vld [tilespmem:s5+$0xFFFFFFF0]  }
0x251: {  	v5 =	vld [tilespmem:s6+$0xFFFFFFF0];
	_ =	sdelay $0x3  }
0x252: {  	vm11 =	vgt.f32 v4, $0.0e+00  }
0x253: {  	v4 =	vnsel vm11, $0x0, v5  }
0x254: {  	[tilespmem:s10+$0xFFFFFFF0] =	vst v4  }
0x255: {  	v4 =	vld [tilespmem:s5+$0x0]  }
0x256: {  	v5 =	vld [tilespmem:s6+$0x0];
	_ =	sdelay $0x3  }
0x257: {  	vm12 =	vgt.f32 v4, $0.0e+00  }
0x258: {  	v4 =	vnsel vm12, $0x0, v5  }
0x259: {  	[tilespmem:s10+$0x0] =	vst v4  }
0x25a: {  	v4 =	vld [tilespmem:s5+$0x10]  }
0x25b: {  	v5 =	vld [tilespmem:s6+$0x10];
	_ =	sdelay $0x3  }
0x25c: {  	vm13 =	vgt.f32 v4, $0.0e+00  }
0x25d: {  	v4 =	vnsel vm13, $0x0, v5  }
0x25e: {  	[tilespmem:s10+$0x10] =	vst v4  }
0x25f: {  	v4 =	vld [tilespmem:s5+$0x20]  }
0x260: {  	v5 =	vld [tilespmem:s6+$0x20];
	_ =	sdelay $0x3  }
0x261: {  	vm14 =	vgt.f32 v4, $0.0e+00  }
0x262: {  	v4 =	vnsel vm14, $0x0, v5  }
0x263: {  	[tilespmem:s10+$0x20] =	vst v4  }
0x264: {  	v4 =	vld [tilespmem:s5+$0x30]  }
0x265: {  	v5 =	vld [tilespmem:s6+$0x30];
	_ =	sdelay $0x3  }
0x266: {  	vm15 =	vgt.f32 v4, $0.0e+00  }
0x267: {  	s11 =	simm.s32 $0x0;
	s14 =	simm.s32 $0x1D850;
	v4 =	vnsel vm15, $0x0, v5  }
.LBB2_54:
0x268: {  	s11 =	sadd.s32 $0x8, s11;
	[tilespmem:s10+$0x30] =	vst v4;
	s5 =	sadd.s32 $0x80, s5;
	s6 =	sadd.s32 $0x80, s6  }
0x269: {  	s10 =	smov.u32 s14;
	v4 =	vld [tilespmem:s5+$0xFFFFFFC0];
	p1 =	slt.u32 s11, $0xF8  }
0x26a: {  	v5 =	vld [tilespmem:s6+$0xFFFFFFC0];
	_ =	sdelay $0x3  }
0x26b: {  	vm0 =	vgt.f32 v4, $0.0e+00  }
0x26c: {  	v4 =	vnsel vm0, $0x0, v5  }
0x26d: {  	[tilespmem:s14+$0xFFFFFFC0] =	vst v4  }
0x26e: {  	v4 =	vld [tilespmem:s5+$0xFFFFFFD0]  }
0x26f: {  	v5 =	vld [tilespmem:s6+$0xFFFFFFD0];
	_ =	sdelay $0x3  }
0x270: {  	vm0 =	vgt.f32 v4, $0.0e+00  }
0x271: {  	v4 =	vnsel vm0, $0x0, v5  }
0x272: {  	[tilespmem:s14+$0xFFFFFFD0] =	vst v4  }
0x273: {  	v4 =	vld [tilespmem:s5+$0xFFFFFFE0]  }
0x274: {  	v5 =	vld [tilespmem:s6+$0xFFFFFFE0];
	_ =	sdelay $0x3  }
0x275: {  	vm0 =	vgt.f32 v4, $0.0e+00  }
0x276: {  	v4 =	vnsel vm0, $0x0, v5  }
0x277: {  	[tilespmem:s14+$0xFFFFFFE0] =	vst v4  }
0x278: {  	v4 =	vld [tilespmem:s5+$0xFFFFFFF0]  }
0x279: {  	v5 =	vld [tilespmem:s6+$0xFFFFFFF0];
	_ =	sdelay $0x3  }
0x27a: {  	vm0 =	vgt.f32 v4, $0.0e+00  }
0x27b: {  	v4 =	vnsel vm0, $0x0, v5  }
0x27c: {  	[tilespmem:s14+$0xFFFFFFF0] =	vst v4  }
0x27d: {  	v4 =	vld [tilespmem:s5+$0x0]  }
0x27e: {  	v5 =	vld [tilespmem:s6+$0x0];
	_ =	sdelay $0x3  }
0x27f: {  	vm0 =	vgt.f32 v4, $0.0e+00  }
0x280: {  	v4 =	vnsel vm0, $0x0, v5  }
0x281: {  	[tilespmem:s14+$0x0] =	vst v4  }
0x282: {  	v4 =	vld [tilespmem:s5+$0x10]  }
0x283: {  	v5 =	vld [tilespmem:s6+$0x10];
	_ =	sdelay $0x3  }
0x284: {  	vm0 =	vgt.f32 v4, $0.0e+00  }
0x285: {  	v4 =	vnsel vm0, $0x0, v5  }
0x286: {  	[tilespmem:s14+$0x10] =	vst v4  }
0x287: {  	v4 =	vld [tilespmem:s5+$0x20]  }
0x288: {  	v5 =	vld [tilespmem:s6+$0x20];
	_ =	sdelay $0x3  }
0x289: {  	vm0 =	vgt.f32 v4, $0.0e+00  }
0x28a: {  	v4 =	vnsel vm0, $0x0, v5  }
0x28b: {  	[tilespmem:s14+$0x20] =	vst v4  }
0x28c: {  	v4 =	vld [tilespmem:s5+$0x30]  }
0x28d: {  	v5 =	vld [tilespmem:s6+$0x30]  }
.Ltmp38:
0x28e: {  	(pc) =	sbr.rel @p1 .LBB2_54-.Ltmp38, $3  }
0x28f: {  	_ =	sdelay $0x1  }
0x290: {  	vm0 =	vgt.f32 v4, $0.0e+00  }
0x291: {  	s14 =	sadd.s32 $0x80, s14;
	v4 =	vnsel vm0, $0x0, v5  }
0x292: {  	[tilespmem:s10+$0x30] =	vst v4;
	s1 =	sadd.s32 s8, s4  }
0x293: {  	[hbm4b:s1+s21] =	stream.linear.scatter [tilespmem:s24], [sflag:$0x3], $0x1000, $0x38;
	[tilespmem:$0x1E790] =	vst v63  }
0x294: {  	s0 =	sadd.s32 $0x1, s0;
	_ =	swait.ge [sflag:s12], $0x1000  }
0x295: {  	p1 =	sne.s32 s0, $0x10;
	[sflag:s12] =	ssyncset.done $0x0  }
.Ltmp39:
0x296: {  	s31 =	sadd.s32 s16, s4;
	[sflag:s12] =	ssyncadd.s32 $0xFFFFF000;
	(pc) =	sbr.rel @p1 .LBB2_53-.Ltmp39, $4  }
0x297: {  	[hbm4b:s31+s21] =	stream.linear.scatter [tilespmem:s26], [sflag:$0x3], $0x1000, $0x38;
	[tilespmem:$0x1E790] =	vst v63  }
0x298: {  	_ =	swait.ge [sflag:s12], $0x1000  }
0x299: {  	[sflag:s12] =	ssyncset.done $0x0  }
0x29a: {  	[sflag:s12] =	ssyncadd.s32 $0xFFFFF000  }
0x29b: {  	s1 =	sld [smem:$0x7FD];
	_ =	sdelay $0x2  }
0x29c: {  	s0 =	rddreg [dreg:$0x10];
	s1 =	sadd.s32 $0x1, s1  }
0x29d: {  	p1 =	sne.s32 s1, s0  }
.Ltmp40:
0x29e: {  	_ = 	snop;
	(pc) =	sbr.rel @p1 .LBB2_1-.Ltmp40, $4  }
.Ltmp41:
0x29f: {  	_ = 	snop;
	(pc) =	sbr.rel @!p1 .LBB2_57-.Ltmp41, $4  }
0x2a0: {  	_ = 	snop  }
0x2a1: {  	_ = 	snop  }
0x2a2: {  	s8 =	rddreg [dreg:$0x8]  }
0x2a3: {  	_ = 	snop  }
.LBB2_43:
.Ltmp42:
0x2a4: {  	(pc) =	sbr.rel .LBB2_47-.Ltmp42, $2  }
0x2a5: {  	_ =	sdelay $0x2  }
0x2a6: {  	s2 =	smov.u32 s1  }
.LBB2_45:
.Ltmp43:
0x2a7: {  	(pc) =	sbr.rel .LBB2_47-.Ltmp43, $2  }
0x2a8: {  	_ =	sdelay $0x2  }
0x2a9: {  	s2 =	smov.u32 s1  }
.LBB2_57:
0x2aa: {  	_ =	sfence.sel $0x180000  }
0x2ab: {  	[bflag:$0x0] =	sbarrier.arrive $0xFFFF  }
0x2ac: {  	_ =	strace $0x90000047  }
0x2ad: {  	[bflag:$0x2] =	sbarrier.arrive $0xFFFF  }
0x2ae: {  	s0 =	rddreg [dreg:$0x7]  }
0x2af: {  	s0 =	sadd.s32 @!p0 $0x100000, s0  }
0x2b0: {  	[sflag:s0] =	ssyncadd.tile.s32 @!p0 $0x1;
	_ =	shalt  }
.Lfunc_end2:
_tile_overlayer_lowered:
.L_overlay_start_2:
0x2b1: {  	(tag) =	ssettag $0x2  }
0x2b2: {  	s0 =	rddreg [dreg:$0x0];
	s2 =	stileid.u32  }
0x2b3: {  	s1 =	rddreg [dreg:$0x1];
	p0 =	sne.s32 s2, $0x0  }
0x2b4: {  	s3 =	rddreg [dreg:$0x2];
	[bflag:$0x3] =	sbarrier.arrive $0xFFFF;
	s2 =	simm.s32 @!p0 $0x1C03  }
0x2b5: {  	[timem:s3], [sflag:s2] =	dma.local @!p0 [hbm:s0], s1  }
0x2b6: {  	s0 =	simm.s32 @!p0 $0x3  }
0x2b7: {  	_ =	swait.ge @!p0 [sflag:s0], s1  }
0x2b8: {  	s1 =	ssub.s32 @!p0 $0x0, s1;
	[sflag:s0] =	ssyncset.done @!p0 $0x0  }
0x2b9: {  	[sflag:s0] =	ssyncadd.s32 @!p0 s1  }
0x2ba: {  	[bflag:$0x3] =	sbarrier.arrive $0xFFFF  }
0x2bb: {  	_ =	shalt  }

</sc_bundles>
